<compile_context>
chip_gen: v7x
topology: tpu7x:2x2x1
jax: 0.10.2.dev20260603
libtpu: 0.0.44.dev20260713+nightly
codegen_flags: <defaults>
</compile_context>

<pallas_src>
import functools

import jax
import jax.numpy as jnp
from jax import lax
from jax.experimental import pallas as pl
from jax.experimental.pallas import tpu as pltpu
from jax.experimental.pallas import tpu_sc as plsc

_B, _T, _D, _H, _K = 64, 576, 768, 32, 1024
_N = _B * _T
_R = 2048
_G = _N // _R
_C = 2
_RC = _R // _C

_NW = 32
_BW = _N // _NW
_CH = 128
_NCH = _BW // _CH


def _front_chain(x, wp, bp, e, en):
    s = lax.dot_general(x, wp, (((1,), (1,)), ((), ())),
                        preferred_element_type=jnp.float32)
    s = s + bp
    dist = en - 2.0 * lax.dot_general(s, e, (((1,), (0,)), ((), ())),
                                      preferred_element_type=jnp.float32)
    ind = jnp.argmin(dist, axis=1)
    md = jnp.min(dist, axis=1)
    return ind, jnp.sum(md) + jnp.sum(s * s)


def _front_body(x_ref, wp_ref, bp_ref, e_ref, ind_ref, loss_ref):
    i = pl.program_id(0)
    e = e_ref[...]
    en = jnp.sum(e * e, axis=0, keepdims=True)
    wp, bp = wp_ref[...], bp_ref[...]
    part = jnp.float32(0.0)
    for c in range(_C):
        ind_c, p_c = _front_chain(x_ref[pl.ds(c * _RC, _RC), :], wp, bp, e, en)
        ind_ref[0, 0, pl.ds(c * _RC, _RC)] = ind_c
        part = part + p_c

    @pl.when(i == 0)
    def _init():
        loss_ref[...] = jnp.zeros_like(loss_ref)

    loss_ref[...] += part


def _back_body(q_ref, wb_ref, bb_ref, out_ref):
    out = lax.dot_general(q_ref[...], wb_ref[...], (((1,), (1,)), ((), ())),
                          preferred_element_type=jnp.float32)
    out_ref[...] = out + bb_ref[...]


_mesh = plsc.VectorSubcoreMesh(core_axis_name="c", subcore_axis_name="s",
                               num_cores=2, num_subcores=16)


@functools.partial(
    pl.kernel, mesh=_mesh,
    out_type=jax.ShapeDtypeStruct((_N, 128), jnp.float32),
    scratch_types=[
        pltpu.VMEM((_CH,), jnp.int32),
        pltpu.VMEM((_CH, 128), jnp.float32),
        pltpu.SemaphoreType.DMA,
    ],
)
def _sc_gather(table_hbm, idx_hbm, out_hbm, idx_v, rows_v, sem):
    wid = lax.axis_index("s") * 2 + lax.axis_index("c")
    base = wid * _BW
    for t in range(_NCH):
        off = base + t * _CH
        pltpu.sync_copy(idx_hbm.at[pl.ds(off, _CH)], idx_v)
        pltpu.async_copy(table_hbm.at[idx_v], rows_v, sem).wait()
        pltpu.sync_copy(rows_v, out_hbm.at[pl.ds(off, _CH)])


def kernel(state, W_proj, b_proj, W_back, b_back, embed):
    x2d = state.reshape(_N, _D)
    ind3d, loss_sum = pl.pallas_call(
        _front_body,
        grid=(_G,),
        in_specs=[
            pl.BlockSpec((_R, _D), lambda i: (i, 0)),
            pl.BlockSpec((_H, _D), lambda i: (0, 0)),
            pl.BlockSpec((1, _H), lambda i: (0, 0)),
            pl.BlockSpec((_H, _K), lambda i: (0, 0)),
        ],
        out_specs=[
            pl.BlockSpec((1, 1, _R), lambda i: (i, 0, 0)),
            pl.BlockSpec((1, 1), lambda i: (0, 0)),
        ],
        out_shape=[
            jax.ShapeDtypeStruct((_G, 1, _R), jnp.int32),
            jax.ShapeDtypeStruct((1, 1), jnp.float32),
        ],
        compiler_params=pltpu.CompilerParams(
            dimension_semantics=("arbitrary",),
        ),
    )(x2d, W_proj, b_proj.reshape(1, _H), embed)
    ind1d = ind3d.reshape(_N)
    etp = jnp.zeros((_K, 128), jnp.float32).at[:, :_H].set(embed.T)
    wbp = jnp.zeros((_D, 128), jnp.float32).at[:, :_H].set(W_back)
    q2d = _sc_gather(etp, ind1d)
    out2d = pl.pallas_call(
        _back_body,
        grid=(_G,),
        in_specs=[
            pl.BlockSpec((_R, 128), lambda i: (i, 0)),
            pl.BlockSpec((_D, 128), lambda i: (0, 0)),
            pl.BlockSpec((1, _D), lambda i: (0, 0)),
        ],
        out_specs=pl.BlockSpec((_R, _D), lambda i: (i, 0)),
        out_shape=jax.ShapeDtypeStruct((_N, _D), jnp.float32),
        compiler_params=pltpu.CompilerParams(
            dimension_semantics=("arbitrary",),
        ),
    )(q2d, wbp, b_back.reshape(1, _D))
    out = out2d.reshape(_B, _T, _D)
    extra_loss = loss_sum[0, 0] / jnp.float32(_N * _H)
    att_scores = jnp.zeros((1, 1, 10), dtype=jnp.float32)
    return out, extra_loss, att_scores

# --- scband reference (transcript-rebuilt; emitter-appended) ---
"""Pipeline reference for scband-quantizer-function-22892175687680 (READ-ONLY COPY).

The authoritative reference and input builder live on the scoring server;
editing this copy changes nothing except your own understanding.
"""

import jax, jax.numpy as jnp
import numpy as np

B, T, D, H, K = 64, 576, 768, 32, 1024
N_TIGHT = 10  # len(N_factors)*3 codebook variants + 1 identity level

def setup_inputs(seed: int = 0) -> dict:
    key = jax.random.key(seed)
    ks = jax.random.split(key, 6)
    return {
        "state": jax.random.normal(ks[0], (B, T, D), dtype=jnp.float32),
        "W_proj": jax.random.normal(ks[1], (H, D), dtype=jnp.float32) * (1.0 / np.sqrt(D)),
        "b_proj": jnp.zeros((H,), dtype=jnp.float32),
        "W_back": jax.random.normal(ks[2], (D, H), dtype=jnp.float32) * (1.0 / np.sqrt(H)),
        "b_back": jnp.zeros((D,), dtype=jnp.float32),
        "embed": jax.random.normal(ks[3], (H, K), dtype=jnp.float32),
    }

def _quantize(x, embed):
    # x: (N, 1, H); embed: (H, K) codebook (rosinality-style Quantize, groups=1)
    Hd = embed.shape[0]
    flatten = x.reshape(-1, Hd)
    dist = ((flatten ** 2).sum(axis=1, keepdims=True)
            - 2.0 * flatten @ embed
            + (embed ** 2).sum(axis=0, keepdims=True))
    ind = jnp.argmin(dist, axis=1)
    q = jnp.take(embed.T, ind, axis=0).reshape(x.shape)
    diff = jnp.mean((jax.lax.stop_gradient(q) - x) ** 2)
    q = x + jax.lax.stop_gradient(q - x)  # straight-through estimator
    return q, diff, ind

def reference(state, W_proj, b_proj, W_back, b_back, embed):
    bsz, Tt, _ = state.shape
    s = state @ W_proj.T + b_proj              # Quantization_projector
    s = s.reshape(bsz * Tt, 1, H)
    q, cbloss, ind = _quantize(s, embed)       # QuantizeFunctions (Method='Quantization')
    att_scores = jnp.zeros((1, 1, N_TIGHT), dtype=jnp.float32)
    extra_loss = cbloss
    out = q.reshape(bsz, Tt, H) @ W_back.T + b_back  # Quantization_projector_back
    return out, extra_loss, att_scores

if __name__ == "__main__":
    import jax
    _d = setup_inputs()
    print(jax.jit(kernel)(*tuple(_d.values())))

</pallas_src>

<mosaic_0001>
#map = affine_map<(d0, d1) -> (0, 0)>
#map1 = affine_map<(d0, d1) -> (0)>
module attributes {stable_mosaic.version = 14 : i64} {
  func.func @_sc_gather(%arg0: i32, %arg1: i32, %arg2: memref<1024x128xf32, #tpu.memory_space<hbm>>, %arg3: memref<36864xi32, #tpu.memory_space<hbm>>, %arg4: memref<36864x128xf32, #tpu.memory_space<hbm>>, %arg5: memref<128xi32, #tpu.memory_space<vmem>>, %arg6: memref<128x128xf32, #tpu.memory_space<vmem>>, %arg7: memref<!tpu.dma_semaphore, #tpu.memory_space<semaphore_mem>>) attributes {dimension_semantics = [#tpu.dimension_semantics<core_parallel>, #tpu.dimension_semantics<subcore_parallel>], iteration_bounds = array<i64: 2, 16>, scalar_prefetch = 0 : i64, scratch_operands = 3 : i64, tpu.core_type = #tpu.core_type<sc_vector_subcore>, window_params = [{transform_indices = #map}, {transform_indices = #map1}, {transform_indices = #map}]} {
    %mul3A = arith.constant 2 : i32
    %mul3A_0 = arith.muli %arg1, %mul3A : i32
    %add3A = arith.addi %mul3A_0, %arg0 : i32
    %mul3A_1 = arith.constant 1152 : i32
    %mul3A_2 = arith.muli %add3A, %mul3A_1 : i32
    %add3A_3 = arith.constant 0 : i32
    %add3A_4 = arith.addi %mul3A_2, %add3A_3 : i32
    "tpu.region"() ({
      %run_scoped3A = tpu.sem_alloc : memref<!tpu.dma_semaphore, #tpu.memory_space<semaphore_mem>>
      %dma_start3A_73 = tpu.memref_slice %arg3[%add3A_4] : memref<36864xi32, #tpu.memory_space<hbm>> -> memref<128xi32, #tpu.memory_space<hbm>>
      %dma_start3A_74 = tpu.memref_slice %arg3[%add3A_4] : memref<36864xi32, #tpu.memory_space<hbm>> -> memref<128xi32, #tpu.memory_space<hbm>>
      tpu.enqueue_dma source(%dma_start3A_74 : memref<128xi32, #tpu.memory_space<hbm>>) target(%arg5 : memref<128xi32, #tpu.memory_space<vmem>>) target_semaphore(%run_scoped3A : memref<!tpu.dma_semaphore, #tpu.memory_space<semaphore_mem>>)
      %dma_wait3A_75 = tpu.memref_slice %arg3[%add3A_4] : memref<36864xi32, #tpu.memory_space<hbm>> -> memref<128xi32, #tpu.memory_space<hbm>>
      %dma_wait3A_76 = tpu.memref_slice %arg3[%add3A_4] : memref<36864xi32, #tpu.memory_space<hbm>> -> memref<128xi32, #tpu.memory_space<hbm>>
      tpu.wait_dma2 semaphore(%run_scoped3A : memref<!tpu.dma_semaphore, #tpu.memory_space<semaphore_mem>>) src(%dma_wait3A_76 : memref<128xi32, #tpu.memory_space<hbm>>) dst(%arg5 : memref<128xi32, #tpu.memory_space<vmem>>)
      tpu.yield
    }) : () -> ()
    %dma_start3A = arith.constant 0 : i32
    %dma_start3A_5 = arith.constant 0 : i32
    %dma_start3A_6 = tpu.memref_slice %arg2[%dma_start3A, %dma_start3A_5] : memref<1024x128xf32, #tpu.memory_space<hbm>> -> memref<1024x128xf32, #tpu.memory_space<hbm>>
    tpu.enqueue_indirect_dma source(%dma_start3A_6 : memref<1024x128xf32, #tpu.memory_space<hbm>>) target(%arg6 : memref<128x128xf32, #tpu.memory_space<vmem>>) offsets(%arg5 : memref<128xi32, #tpu.memory_space<vmem>>) semaphore(%arg7 : memref<!tpu.dma_semaphore, #tpu.memory_space<semaphore_mem>>)
    %dma_wait3A = arith.constant 0 : i32
    %dma_wait3A_7 = arith.constant 0 : i32
    %dma_wait3A_8 = tpu.memref_slice %arg2[%dma_wait3A, %dma_wait3A_7] : memref<1024x128xf32, #tpu.memory_space<hbm>> -> memref<1024x128xf32, #tpu.memory_space<hbm>>
    tpu.wait_indirect_dma semaphore(%arg7 : memref<!tpu.dma_semaphore, #tpu.memory_space<semaphore_mem>>) src(%dma_wait3A_8 : memref<1024x128xf32, #tpu.memory_space<hbm>>) dst(%arg6 : memref<128x128xf32, #tpu.memory_space<vmem>>)
    "tpu.region"() ({
      %run_scoped3A = tpu.sem_alloc : memref<!tpu.dma_semaphore, #tpu.memory_space<semaphore_mem>>
      %dma_start3A_73 = arith.constant 0 : i32
      %dma_start3A_74 = tpu.memref_slice %arg4[%add3A_4, %dma_start3A_73] : memref<36864x128xf32, #tpu.memory_space<hbm>> -> memref<128x128xf32, #tpu.memory_space<hbm>>
      %dma_start3A_75 = arith.constant 0 : i32
      %dma_start3A_76 = tpu.memref_slice %arg4[%add3A_4, %dma_start3A_75] : memref<36864x128xf32, #tpu.memory_space<hbm>> -> memref<128x128xf32, #tpu.memory_space<hbm>>
      tpu.enqueue_dma source(%arg6 : memref<128x128xf32, #tpu.memory_space<vmem>>) target(%dma_start3A_76 : memref<128x128xf32, #tpu.memory_space<hbm>>) target_semaphore(%run_scoped3A : memref<!tpu.dma_semaphore, #tpu.memory_space<semaphore_mem>>)
      %dma_wait3A_77 = arith.constant 0 : i32
      %dma_wait3A_78 = tpu.memref_slice %arg4[%add3A_4, %dma_wait3A_77] : memref<36864x128xf32, #tpu.memory_space<hbm>> -> memref<128x128xf32, #tpu.memory_space<hbm>>
      %dma_wait3A_79 = arith.constant 0 : i32
      %dma_wait3A_80 = tpu.memref_slice %arg4[%add3A_4, %dma_wait3A_79] : memref<36864x128xf32, #tpu.memory_space<hbm>> -> memref<128x128xf32, #tpu.memory_space<hbm>>
      tpu.wait_dma2 semaphore(%run_scoped3A : memref<!tpu.dma_semaphore, #tpu.memory_space<semaphore_mem>>) src(%arg6 : memref<128x128xf32, #tpu.memory_space<vmem>>) dst(%dma_wait3A_80 : memref<128x128xf32, #tpu.memory_space<hbm>>)
      tpu.yield
    }) : () -> ()
    %add3A_9 = arith.constant 128 : i32
    %add3A_10 = arith.addi %mul3A_2, %add3A_9 : i32
    "tpu.region"() ({
      %run_scoped3A = tpu.sem_alloc : memref<!tpu.dma_semaphore, #tpu.memory_space<semaphore_mem>>
      %dma_start3A_73 = tpu.memref_slice %arg3[%add3A_10] : memref<36864xi32, #tpu.memory_space<hbm>> -> memref<128xi32, #tpu.memory_space<hbm>>
      %dma_start3A_74 = tpu.memref_slice %arg3[%add3A_10] : memref<36864xi32, #tpu.memory_space<hbm>> -> memref<128xi32, #tpu.memory_space<hbm>>
      tpu.enqueue_dma source(%dma_start3A_74 : memref<128xi32, #tpu.memory_space<hbm>>) target(%arg5 : memref<128xi32, #tpu.memory_space<vmem>>) target_semaphore(%run_scoped3A : memref<!tpu.dma_semaphore, #tpu.memory_space<semaphore_mem>>)
      %dma_wait3A_75 = tpu.memref_slice %arg3[%add3A_10] : memref<36864xi32, #tpu.memory_space<hbm>> -> memref<128xi32, #tpu.memory_space<hbm>>
      %dma_wait3A_76 = tpu.memref_slice %arg3[%add3A_10] : memref<36864xi32, #tpu.memory_space<hbm>> -> memref<128xi32, #tpu.memory_space<hbm>>
      tpu.wait_dma2 semaphore(%run_scoped3A : memref<!tpu.dma_semaphore, #tpu.memory_space<semaphore_mem>>) src(%dma_wait3A_76 : memref<128xi32, #tpu.memory_space<hbm>>) dst(%arg5 : memref<128xi32, #tpu.memory_space<vmem>>)
      tpu.yield
    }) : () -> ()
    %dma_start3A_11 = arith.constant 0 : i32
    %dma_start3A_12 = arith.constant 0 : i32
    %dma_start3A_13 = tpu.memref_slice %arg2[%dma_start3A_11, %dma_start3A_12] : memref<1024x128xf32, #tpu.memory_space<hbm>> -> memref<1024x128xf32, #tpu.memory_space<hbm>>
    tpu.enqueue_indirect_dma source(%dma_start3A_13 : memref<1024x128xf32, #tpu.memory_space<hbm>>) target(%arg6 : memref<128x128xf32, #tpu.memory_space<vmem>>) offsets(%arg5 : memref<128xi32, #tpu.memory_space<vmem>>) semaphore(%arg7 : memref<!tpu.dma_semaphore, #tpu.memory_space<semaphore_mem>>)
    %dma_wait3A_14 = arith.constant 0 : i32
    %dma_wait3A_15 = arith.constant 0 : i32
    %dma_wait3A_16 = tpu.memref_slice %arg2[%dma_wait3A_14, %dma_wait3A_15] : memref<1024x128xf32, #tpu.memory_space<hbm>> -> memref<1024x128xf32, #tpu.memory_space<hbm>>
    tpu.wait_indirect_dma semaphore(%arg7 : memref<!tpu.dma_semaphore, #tpu.memory_space<semaphore_mem>>) src(%dma_wait3A_16 : memref<1024x128xf32, #tpu.memory_space<hbm>>) dst(%arg6 : memref<128x128xf32, #tpu.memory_space<vmem>>)
    "tpu.region"() ({
      %run_scoped3A = tpu.sem_alloc : memref<!tpu.dma_semaphore, #tpu.memory_space<semaphore_mem>>
      %dma_start3A_73 = arith.constant 0 : i32
      %dma_start3A_74 = tpu.memref_slice %arg4[%add3A_10, %dma_start3A_73] : memref<36864x128xf32, #tpu.memory_space<hbm>> -> memref<128x128xf32, #tpu.memory_space<hbm>>
      %dma_start3A_75 = arith.constant 0 : i32
      %dma_start3A_76 = tpu.memref_slice %arg4[%add3A_10, %dma_start3A_75] : memref<36864x128xf32, #tpu.memory_space<hbm>> -> memref<128x128xf32, #tpu.memory_space<hbm>>
      tpu.enqueue_dma source(%arg6 : memref<128x128xf32, #tpu.memory_space<vmem>>) target(%dma_start3A_76 : memref<128x128xf32, #tpu.memory_space<hbm>>) target_semaphore(%run_scoped3A : memref<!tpu.dma_semaphore, #tpu.memory_space<semaphore_mem>>)
      %dma_wait3A_77 = arith.constant 0 : i32
      %dma_wait3A_78 = tpu.memref_slice %arg4[%add3A_10, %dma_wait3A_77] : memref<36864x128xf32, #tpu.memory_space<hbm>> -> memref<128x128xf32, #tpu.memory_space<hbm>>
      %dma_wait3A_79 = arith.constant 0 : i32
      %dma_wait3A_80 = tpu.memref_slice %arg4[%add3A_10, %dma_wait3A_79] : memref<36864x128xf32, #tpu.memory_space<hbm>> -> memref<128x128xf32, #tpu.memory_space<hbm>>
      tpu.wait_dma2 semaphore(%run_scoped3A : memref<!tpu.dma_semaphore, #tpu.memory_space<semaphore_mem>>) src(%arg6 : memref<128x128xf32, #tpu.memory_space<vmem>>) dst(%dma_wait3A_80 : memref<128x128xf32, #tpu.memory_space<hbm>>)
      tpu.yield
    }) : () -> ()
    %add3A_17 = arith.constant 256 : i32
    %add3A_18 = arith.addi %mul3A_2, %add3A_17 : i32
    "tpu.region"() ({
      %run_scoped3A = tpu.sem_alloc : memref<!tpu.dma_semaphore, #tpu.memory_space<semaphore_mem>>
      %dma_start3A_73 = tpu.memref_slice %arg3[%add3A_18] : memref<36864xi32, #tpu.memory_space<hbm>> -> memref<128xi32, #tpu.memory_space<hbm>>
      %dma_start3A_74 = tpu.memref_slice %arg3[%add3A_18] : memref<36864xi32, #tpu.memory_space<hbm>> -> memref<128xi32, #tpu.memory_space<hbm>>
      tpu.enqueue_dma source(%dma_start3A_74 : memref<128xi32, #tpu.memory_space<hbm>>) target(%arg5 : memref<128xi32, #tpu.memory_space<vmem>>) target_semaphore(%run_scoped3A : memref<!tpu.dma_semaphore, #tpu.memory_space<semaphore_mem>>)
      %dma_wait3A_75 = tpu.memref_slice %arg3[%add3A_18] : memref<36864xi32, #tpu.memory_space<hbm>> -> memref<128xi32, #tpu.memory_space<hbm>>
      %dma_wait3A_76 = tpu.memref_slice %arg3[%add3A_18] : memref<36864xi32, #tpu.memory_space<hbm>> -> memref<128xi32, #tpu.memory_space<hbm>>
      tpu.wait_dma2 semaphore(%run_scoped3A : memref<!tpu.dma_semaphore, #tpu.memory_space<semaphore_mem>>) src(%dma_wait3A_76 : memref<128xi32, #tpu.memory_space<hbm>>) dst(%arg5 : memref<128xi32, #tpu.memory_space<vmem>>)
      tpu.yield
    }) : () -> ()
    %dma_start3A_19 = arith.constant 0 : i32
    %dma_start3A_20 = arith.constant 0 : i32
    %dma_start3A_21 = tpu.memref_slice %arg2[%dma_start3A_19, %dma_start3A_20] : memref<1024x128xf32, #tpu.memory_space<hbm>> -> memref<1024x128xf32, #tpu.memory_space<hbm>>
    tpu.enqueue_indirect_dma source(%dma_start3A_21 : memref<1024x128xf32, #tpu.memory_space<hbm>>) target(%arg6 : memref<128x128xf32, #tpu.memory_space<vmem>>) offsets(%arg5 : memref<128xi32, #tpu.memory_space<vmem>>) semaphore(%arg7 : memref<!tpu.dma_semaphore, #tpu.memory_space<semaphore_mem>>)
    %dma_wait3A_22 = arith.constant 0 : i32
    %dma_wait3A_23 = arith.constant 0 : i32
    %dma_wait3A_24 = tpu.memref_slice %arg2[%dma_wait3A_22, %dma_wait3A_23] : memref<1024x128xf32, #tpu.memory_space<hbm>> -> memref<1024x128xf32, #tpu.memory_space<hbm>>
    tpu.wait_indirect_dma semaphore(%arg7 : memref<!tpu.dma_semaphore, #tpu.memory_space<semaphore_mem>>) src(%dma_wait3A_24 : memref<1024x128xf32, #tpu.memory_space<hbm>>) dst(%arg6 : memref<128x128xf32, #tpu.memory_space<vmem>>)
    "tpu.region"() ({
      %run_scoped3A = tpu.sem_alloc : memref<!tpu.dma_semaphore, #tpu.memory_space<semaphore_mem>>
      %dma_start3A_73 = arith.constant 0 : i32
      %dma_start3A_74 = tpu.memref_slice %arg4[%add3A_18, %dma_start3A_73] : memref<36864x128xf32, #tpu.memory_space<hbm>> -> memref<128x128xf32, #tpu.memory_space<hbm>>
      %dma_start3A_75 = arith.constant 0 : i32
      %dma_start3A_76 = tpu.memref_slice %arg4[%add3A_18, %dma_start3A_75] : memref<36864x128xf32, #tpu.memory_space<hbm>> -> memref<128x128xf32, #tpu.memory_space<hbm>>
      tpu.enqueue_dma source(%arg6 : memref<128x128xf32, #tpu.memory_space<vmem>>) target(%dma_start3A_76 : memref<128x128xf32, #tpu.memory_space<hbm>>) target_semaphore(%run_scoped3A : memref<!tpu.dma_semaphore, #tpu.memory_space<semaphore_mem>>)
      %dma_wait3A_77 = arith.constant 0 : i32
      %dma_wait3A_78 = tpu.memref_slice %arg4[%add3A_18, %dma_wait3A_77] : memref<36864x128xf32, #tpu.memory_space<hbm>> -> memref<128x128xf32, #tpu.memory_space<hbm>>
      %dma_wait3A_79 = arith.constant 0 : i32
      %dma_wait3A_80 = tpu.memref_slice %arg4[%add3A_18, %dma_wait3A_79] : memref<36864x128xf32, #tpu.memory_space<hbm>> -> memref<128x128xf32, #tpu.memory_space<hbm>>
      tpu.wait_dma2 semaphore(%run_scoped3A : memref<!tpu.dma_semaphore, #tpu.memory_space<semaphore_mem>>) src(%arg6 : memref<128x128xf32, #tpu.memory_space<vmem>>) dst(%dma_wait3A_80 : memref<128x128xf32, #tpu.memory_space<hbm>>)
      tpu.yield
    }) : () -> ()
    %add3A_25 = arith.constant 384 : i32
    %add3A_26 = arith.addi %mul3A_2, %add3A_25 : i32
    "tpu.region"() ({
      %run_scoped3A = tpu.sem_alloc : memref<!tpu.dma_semaphore, #tpu.memory_space<semaphore_mem>>
      %dma_start3A_73 = tpu.memref_slice %arg3[%add3A_26] : memref<36864xi32, #tpu.memory_space<hbm>> -> memref<128xi32, #tpu.memory_space<hbm>>
      %dma_start3A_74 = tpu.memref_slice %arg3[%add3A_26] : memref<36864xi32, #tpu.memory_space<hbm>> -> memref<128xi32, #tpu.memory_space<hbm>>
      tpu.enqueue_dma source(%dma_start3A_74 : memref<128xi32, #tpu.memory_space<hbm>>) target(%arg5 : memref<128xi32, #tpu.memory_space<vmem>>) target_semaphore(%run_scoped3A : memref<!tpu.dma_semaphore, #tpu.memory_space<semaphore_mem>>)
      %dma_wait3A_75 = tpu.memref_slice %arg3[%add3A_26] : memref<36864xi32, #tpu.memory_space<hbm>> -> memref<128xi32, #tpu.memory_space<hbm>>
      %dma_wait3A_76 = tpu.memref_slice %arg3[%add3A_26] : memref<36864xi32, #tpu.memory_space<hbm>> -> memref<128xi32, #tpu.memory_space<hbm>>
      tpu.wait_dma2 semaphore(%run_scoped3A : memref<!tpu.dma_semaphore, #tpu.memory_space<semaphore_mem>>) src(%dma_wait3A_76 : memref<128xi32, #tpu.memory_space<hbm>>) dst(%arg5 : memref<128xi32, #tpu.memory_space<vmem>>)
      tpu.yield
    }) : () -> ()
    %dma_start3A_27 = arith.constant 0 : i32
    %dma_start3A_28 = arith.constant 0 : i32
    %dma_start3A_29 = tpu.memref_slice %arg2[%dma_start3A_27, %dma_start3A_28] : memref<1024x128xf32, #tpu.memory_space<hbm>> -> memref<1024x128xf32, #tpu.memory_space<hbm>>
    tpu.enqueue_indirect_dma source(%dma_start3A_29 : memref<1024x128xf32, #tpu.memory_space<hbm>>) target(%arg6 : memref<128x128xf32, #tpu.memory_space<vmem>>) offsets(%arg5 : memref<128xi32, #tpu.memory_space<vmem>>) semaphore(%arg7 : memref<!tpu.dma_semaphore, #tpu.memory_space<semaphore_mem>>)
    %dma_wait3A_30 = arith.constant 0 : i32
    %dma_wait3A_31 = arith.constant 0 : i32
    %dma_wait3A_32 = tpu.memref_slice %arg2[%dma_wait3A_30, %dma_wait3A_31] : memref<1024x128xf32, #tpu.memory_space<hbm>> -> memref<1024x128xf32, #tpu.memory_space<hbm>>
    tpu.wait_indirect_dma semaphore(%arg7 : memref<!tpu.dma_semaphore, #tpu.memory_space<semaphore_mem>>) src(%dma_wait3A_32 : memref<1024x128xf32, #tpu.memory_space<hbm>>) dst(%arg6 : memref<128x128xf32, #tpu.memory_space<vmem>>)
    "tpu.region"() ({
      %run_scoped3A = tpu.sem_alloc : memref<!tpu.dma_semaphore, #tpu.memory_space<semaphore_mem>>
      %dma_start3A_73 = arith.constant 0 : i32
      %dma_start3A_74 = tpu.memref_slice %arg4[%add3A_26, %dma_start3A_73] : memref<36864x128xf32, #tpu.memory_space<hbm>> -> memref<128x128xf32, #tpu.memory_space<hbm>>
      %dma_start3A_75 = arith.constant 0 : i32
      %dma_start3A_76 = tpu.memref_slice %arg4[%add3A_26, %dma_start3A_75] : memref<36864x128xf32, #tpu.memory_space<hbm>> -> memref<128x128xf32, #tpu.memory_space<hbm>>
      tpu.enqueue_dma source(%arg6 : memref<128x128xf32, #tpu.memory_space<vmem>>) target(%dma_start3A_76 : memref<128x128xf32, #tpu.memory_space<hbm>>) target_semaphore(%run_scoped3A : memref<!tpu.dma_semaphore, #tpu.memory_space<semaphore_mem>>)
      %dma_wait3A_77 = arith.constant 0 : i32
      %dma_wait3A_78 = tpu.memref_slice %arg4[%add3A_26, %dma_wait3A_77] : memref<36864x128xf32, #tpu.memory_space<hbm>> -> memref<128x128xf32, #tpu.memory_space<hbm>>
      %dma_wait3A_79 = arith.constant 0 : i32
      %dma_wait3A_80 = tpu.memref_slice %arg4[%add3A_26, %dma_wait3A_79] : memref<36864x128xf32, #tpu.memory_space<hbm>> -> memref<128x128xf32, #tpu.memory_space<hbm>>
      tpu.wait_dma2 semaphore(%run_scoped3A : memref<!tpu.dma_semaphore, #tpu.memory_space<semaphore_mem>>) src(%arg6 : memref<128x128xf32, #tpu.memory_space<vmem>>) dst(%dma_wait3A_80 : memref<128x128xf32, #tpu.memory_space<hbm>>)
      tpu.yield
    }) : () -> ()
    %add3A_33 = arith.constant 512 : i32
    %add3A_34 = arith.addi %mul3A_2, %add3A_33 : i32
    "tpu.region"() ({
      %run_scoped3A = tpu.sem_alloc : memref<!tpu.dma_semaphore, #tpu.memory_space<semaphore_mem>>
      %dma_start3A_73 = tpu.memref_slice %arg3[%add3A_34] : memref<36864xi32, #tpu.memory_space<hbm>> -> memref<128xi32, #tpu.memory_space<hbm>>
      %dma_start3A_74 = tpu.memref_slice %arg3[%add3A_34] : memref<36864xi32, #tpu.memory_space<hbm>> -> memref<128xi32, #tpu.memory_space<hbm>>
      tpu.enqueue_dma source(%dma_start3A_74 : memref<128xi32, #tpu.memory_space<hbm>>) target(%arg5 : memref<128xi32, #tpu.memory_space<vmem>>) target_semaphore(%run_scoped3A : memref<!tpu.dma_semaphore, #tpu.memory_space<semaphore_mem>>)
      %dma_wait3A_75 = tpu.memref_slice %arg3[%add3A_34] : memref<36864xi32, #tpu.memory_space<hbm>> -> memref<128xi32, #tpu.memory_space<hbm>>
      %dma_wait3A_76 = tpu.memref_slice %arg3[%add3A_34] : memref<36864xi32, #tpu.memory_space<hbm>> -> memref<128xi32, #tpu.memory_space<hbm>>
      tpu.wait_dma2 semaphore(%run_scoped3A : memref<!tpu.dma_semaphore, #tpu.memory_space<semaphore_mem>>) src(%dma_wait3A_76 : memref<128xi32, #tpu.memory_space<hbm>>) dst(%arg5 : memref<128xi32, #tpu.memory_space<vmem>>)
      tpu.yield
    }) : () -> ()
    %dma_start3A_35 = arith.constant 0 : i32
    %dma_start3A_36 = arith.constant 0 : i32
    %dma_start3A_37 = tpu.memref_slice %arg2[%dma_start3A_35, %dma_start3A_36] : memref<1024x128xf32, #tpu.memory_space<hbm>> -> memref<1024x128xf32, #tpu.memory_space<hbm>>
    tpu.enqueue_indirect_dma source(%dma_start3A_37 : memref<1024x128xf32, #tpu.memory_space<hbm>>) target(%arg6 : memref<128x128xf32, #tpu.memory_space<vmem>>) offsets(%arg5 : memref<128xi32, #tpu.memory_space<vmem>>) semaphore(%arg7 : memref<!tpu.dma_semaphore, #tpu.memory_space<semaphore_mem>>)
    %dma_wait3A_38 = arith.constant 0 : i32
    %dma_wait3A_39 = arith.constant 0 : i32
    %dma_wait3A_40 = tpu.memref_slice %arg2[%dma_wait3A_38, %dma_wait3A_39] : memref<1024x128xf32, #tpu.memory_space<hbm>> -> memref<1024x128xf32, #tpu.memory_space<hbm>>
    tpu.wait_indirect_dma semaphore(%arg7 : memref<!tpu.dma_semaphore, #tpu.memory_space<semaphore_mem>>) src(%dma_wait3A_40 : memref<1024x128xf32, #tpu.memory_space<hbm>>) dst(%arg6 : memref<128x128xf32, #tpu.memory_space<vmem>>)
    "tpu.region"() ({
      %run_scoped3A = tpu.sem_alloc : memref<!tpu.dma_semaphore, #tpu.memory_space<semaphore_mem>>
      %dma_start3A_73 = arith.constant 0 : i32
      %dma_start3A_74 = tpu.memref_slice %arg4[%add3A_34, %dma_start3A_73] : memref<36864x128xf32, #tpu.memory_space<hbm>> -> memref<128x128xf32, #tpu.memory_space<hbm>>
      %dma_start3A_75 = arith.constant 0 : i32
      %dma_start3A_76 = tpu.memref_slice %arg4[%add3A_34, %dma_start3A_75] : memref<36864x128xf32, #tpu.memory_space<hbm>> -> memref<128x128xf32, #tpu.memory_space<hbm>>
      tpu.enqueue_dma source(%arg6 : memref<128x128xf32, #tpu.memory_space<vmem>>) target(%dma_start3A_76 : memref<128x128xf32, #tpu.memory_space<hbm>>) target_semaphore(%run_scoped3A : memref<!tpu.dma_semaphore, #tpu.memory_space<semaphore_mem>>)
      %dma_wait3A_77 = arith.constant 0 : i32
      %dma_wait3A_78 = tpu.memref_slice %arg4[%add3A_34, %dma_wait3A_77] : memref<36864x128xf32, #tpu.memory_space<hbm>> -> memref<128x128xf32, #tpu.memory_space<hbm>>
      %dma_wait3A_79 = arith.constant 0 : i32
      %dma_wait3A_80 = tpu.memref_slice %arg4[%add3A_34, %dma_wait3A_79] : memref<36864x128xf32, #tpu.memory_space<hbm>> -> memref<128x128xf32, #tpu.memory_space<hbm>>
      tpu.wait_dma2 semaphore(%run_scoped3A : memref<!tpu.dma_semaphore, #tpu.memory_space<semaphore_mem>>) src(%arg6 : memref<128x128xf32, #tpu.memory_space<vmem>>) dst(%dma_wait3A_80 : memref<128x128xf32, #tpu.memory_space<hbm>>)
      tpu.yield
    }) : () -> ()
    %add3A_41 = arith.constant 640 : i32
    %add3A_42 = arith.addi %mul3A_2, %add3A_41 : i32
    "tpu.region"() ({
      %run_scoped3A = tpu.sem_alloc : memref<!tpu.dma_semaphore, #tpu.memory_space<semaphore_mem>>
      %dma_start3A_73 = tpu.memref_slice %arg3[%add3A_42] : memref<36864xi32, #tpu.memory_space<hbm>> -> memref<128xi32, #tpu.memory_space<hbm>>
      %dma_start3A_74 = tpu.memref_slice %arg3[%add3A_42] : memref<36864xi32, #tpu.memory_space<hbm>> -> memref<128xi32, #tpu.memory_space<hbm>>
      tpu.enqueue_dma source(%dma_start3A_74 : memref<128xi32, #tpu.memory_space<hbm>>) target(%arg5 : memref<128xi32, #tpu.memory_space<vmem>>) target_semaphore(%run_scoped3A : memref<!tpu.dma_semaphore, #tpu.memory_space<semaphore_mem>>)
      %dma_wait3A_75 = tpu.memref_slice %arg3[%add3A_42] : memref<36864xi32, #tpu.memory_space<hbm>> -> memref<128xi32, #tpu.memory_space<hbm>>
      %dma_wait3A_76 = tpu.memref_slice %arg3[%add3A_42] : memref<36864xi32, #tpu.memory_space<hbm>> -> memref<128xi32, #tpu.memory_space<hbm>>
      tpu.wait_dma2 semaphore(%run_scoped3A : memref<!tpu.dma_semaphore, #tpu.memory_space<semaphore_mem>>) src(%dma_wait3A_76 : memref<128xi32, #tpu.memory_space<hbm>>) dst(%arg5 : memref<128xi32, #tpu.memory_space<vmem>>)
      tpu.yield
    }) : () -> ()
    %dma_start3A_43 = arith.constant 0 : i32
    %dma_start3A_44 = arith.constant 0 : i32
    %dma_start3A_45 = tpu.memref_slice %arg2[%dma_start3A_43, %dma_start3A_44] : memref<1024x128xf32, #tpu.memory_space<hbm>> -> memref<1024x128xf32, #tpu.memory_space<hbm>>
    tpu.enqueue_indirect_dma source(%dma_start3A_45 : memref<1024x128xf32, #tpu.memory_space<hbm>>) target(%arg6 : memref<128x128xf32, #tpu.memory_space<vmem>>) offsets(%arg5 : memref<128xi32, #tpu.memory_space<vmem>>) semaphore(%arg7 : memref<!tpu.dma_semaphore, #tpu.memory_space<semaphore_mem>>)
    %dma_wait3A_46 = arith.constant 0 : i32
    %dma_wait3A_47 = arith.constant 0 : i32
    %dma_wait3A_48 = tpu.memref_slice %arg2[%dma_wait3A_46, %dma_wait3A_47] : memref<1024x128xf32, #tpu.memory_space<hbm>> -> memref<1024x128xf32, #tpu.memory_space<hbm>>
    tpu.wait_indirect_dma semaphore(%arg7 : memref<!tpu.dma_semaphore, #tpu.memory_space<semaphore_mem>>) src(%dma_wait3A_48 : memref<1024x128xf32, #tpu.memory_space<hbm>>) dst(%arg6 : memref<128x128xf32, #tpu.memory_space<vmem>>)
    "tpu.region"() ({
      %run_scoped3A = tpu.sem_alloc : memref<!tpu.dma_semaphore, #tpu.memory_space<semaphore_mem>>
      %dma_start3A_73 = arith.constant 0 : i32
      %dma_start3A_74 = tpu.memref_slice %arg4[%add3A_42, %dma_start3A_73] : memref<36864x128xf32, #tpu.memory_space<hbm>> -> memref<128x128xf32, #tpu.memory_space<hbm>>
      %dma_start3A_75 = arith.constant 0 : i32
      %dma_start3A_76 = tpu.memref_slice %arg4[%add3A_42, %dma_start3A_75] : memref<36864x128xf32, #tpu.memory_space<hbm>> -> memref<128x128xf32, #tpu.memory_space<hbm>>
      tpu.enqueue_dma source(%arg6 : memref<128x128xf32, #tpu.memory_space<vmem>>) target(%dma_start3A_76 : memref<128x128xf32, #tpu.memory_space<hbm>>) target_semaphore(%run_scoped3A : memref<!tpu.dma_semaphore, #tpu.memory_space<semaphore_mem>>)
      %dma_wait3A_77 = arith.constant 0 : i32
      %dma_wait3A_78 = tpu.memref_slice %arg4[%add3A_42, %dma_wait3A_77] : memref<36864x128xf32, #tpu.memory_space<hbm>> -> memref<128x128xf32, #tpu.memory_space<hbm>>
      %dma_wait3A_79 = arith.constant 0 : i32
      %dma_wait3A_80 = tpu.memref_slice %arg4[%add3A_42, %dma_wait3A_79] : memref<36864x128xf32, #tpu.memory_space<hbm>> -> memref<128x128xf32, #tpu.memory_space<hbm>>
      tpu.wait_dma2 semaphore(%run_scoped3A : memref<!tpu.dma_semaphore, #tpu.memory_space<semaphore_mem>>) src(%arg6 : memref<128x128xf32, #tpu.memory_space<vmem>>) dst(%dma_wait3A_80 : memref<128x128xf32, #tpu.memory_space<hbm>>)
      tpu.yield
    }) : () -> ()
    %add3A_49 = arith.constant 768 : i32
    %add3A_50 = arith.addi %mul3A_2, %add3A_49 : i32
    "tpu.region"() ({
      %run_scoped3A = tpu.sem_alloc : memref<!tpu.dma_semaphore, #tpu.memory_space<semaphore_mem>>
      %dma_start3A_73 = tpu.memref_slice %arg3[%add3A_50] : memref<36864xi32, #tpu.memory_space<hbm>> -> memref<128xi32, #tpu.memory_space<hbm>>
      %dma_start3A_74 = tpu.memref_slice %arg3[%add3A_50] : memref<36864xi32, #tpu.memory_space<hbm>> -> memref<128xi32, #tpu.memory_space<hbm>>
      tpu.enqueue_dma source(%dma_start3A_74 : memref<128xi32, #tpu.memory_space<hbm>>) target(%arg5 : memref<128xi32, #tpu.memory_space<vmem>>) target_semaphore(%run_scoped3A : memref<!tpu.dma_semaphore, #tpu.memory_space<semaphore_mem>>)
      %dma_wait3A_75 = tpu.memref_slice %arg3[%add3A_50] : memref<36864xi32, #tpu.memory_space<hbm>> -> memref<128xi32, #tpu.memory_space<hbm>>
      %dma_wait3A_76 = tpu.memref_slice %arg3[%add3A_50] : memref<36864xi32, #tpu.memory_space<hbm>> -> memref<128xi32, #tpu.memory_space<hbm>>
      tpu.wait_dma2 semaphore(%run_scoped3A : memref<!tpu.dma_semaphore, #tpu.memory_space<semaphore_mem>>) src(%dma_wait3A_76 : memref<128xi32, #tpu.memory_space<hbm>>) dst(%arg5 : memref<128xi32, #tpu.memory_space<vmem>>)
      tpu.yield
    }) : () -> ()
    %dma_start3A_51 = arith.constant 0 : i32
    %dma_start3A_52 = arith.constant 0 : i32
    %dma_start3A_53 = tpu.memref_slice %arg2[%dma_start3A_51, %dma_start3A_52] : memref<1024x128xf32, #tpu.memory_space<hbm>> -> memref<1024x128xf32, #tpu.memory_space<hbm>>
    tpu.enqueue_indirect_dma source(%dma_start3A_53 : memref<1024x128xf32, #tpu.memory_space<hbm>>) target(%arg6 : memref<128x128xf32, #tpu.memory_space<vmem>>) offsets(%arg5 : memref<128xi32, #tpu.memory_space<vmem>>) semaphore(%arg7 : memref<!tpu.dma_semaphore, #tpu.memory_space<semaphore_mem>>)
    %dma_wait3A_54 = arith.constant 0 : i32
    %dma_wait3A_55 = arith.constant 0 : i32
    %dma_wait3A_56 = tpu.memref_slice %arg2[%dma_wait3A_54, %dma_wait3A_55] : memref<1024x128xf32, #tpu.memory_space<hbm>> -> memref<1024x128xf32, #tpu.memory_space<hbm>>
    tpu.wait_indirect_dma semaphore(%arg7 : memref<!tpu.dma_semaphore, #tpu.memory_space<semaphore_mem>>) src(%dma_wait3A_56 : memref<1024x128xf32, #tpu.memory_space<hbm>>) dst(%arg6 : memref<128x128xf32, #tpu.memory_space<vmem>>)
    "tpu.region"() ({
      %run_scoped3A = tpu.sem_alloc : memref<!tpu.dma_semaphore, #tpu.memory_space<semaphore_mem>>
      %dma_start3A_73 = arith.constant 0 : i32
      %dma_start3A_74 = tpu.memref_slice %arg4[%add3A_50, %dma_start3A_73] : memref<36864x128xf32, #tpu.memory_space<hbm>> -> memref<128x128xf32, #tpu.memory_space<hbm>>
      %dma_start3A_75 = arith.constant 0 : i32
      %dma_start3A_76 = tpu.memref_slice %arg4[%add3A_50, %dma_start3A_75] : memref<36864x128xf32, #tpu.memory_space<hbm>> -> memref<128x128xf32, #tpu.memory_space<hbm>>
      tpu.enqueue_dma source(%arg6 : memref<128x128xf32, #tpu.memory_space<vmem>>) target(%dma_start3A_76 : memref<128x128xf32, #tpu.memory_space<hbm>>) target_semaphore(%run_scoped3A : memref<!tpu.dma_semaphore, #tpu.memory_space<semaphore_mem>>)
      %dma_wait3A_77 = arith.constant 0 : i32
      %dma_wait3A_78 = tpu.memref_slice %arg4[%add3A_50, %dma_wait3A_77] : memref<36864x128xf32, #tpu.memory_space<hbm>> -> memref<128x128xf32, #tpu.memory_space<hbm>>
      %dma_wait3A_79 = arith.constant 0 : i32
      %dma_wait3A_80 = tpu.memref_slice %arg4[%add3A_50, %dma_wait3A_79] : memref<36864x128xf32, #tpu.memory_space<hbm>> -> memref<128x128xf32, #tpu.memory_space<hbm>>
      tpu.wait_dma2 semaphore(%run_scoped3A : memref<!tpu.dma_semaphore, #tpu.memory_space<semaphore_mem>>) src(%arg6 : memref<128x128xf32, #tpu.memory_space<vmem>>) dst(%dma_wait3A_80 : memref<128x128xf32, #tpu.memory_space<hbm>>)
      tpu.yield
    }) : () -> ()
    %add3A_57 = arith.constant 896 : i32
    %add3A_58 = arith.addi %mul3A_2, %add3A_57 : i32
    "tpu.region"() ({
      %run_scoped3A = tpu.sem_alloc : memref<!tpu.dma_semaphore, #tpu.memory_space<semaphore_mem>>
      %dma_start3A_73 = tpu.memref_slice %arg3[%add3A_58] : memref<36864xi32, #tpu.memory_space<hbm>> -> memref<128xi32, #tpu.memory_space<hbm>>
      %dma_start3A_74 = tpu.memref_slice %arg3[%add3A_58] : memref<36864xi32, #tpu.memory_space<hbm>> -> memref<128xi32, #tpu.memory_space<hbm>>
      tpu.enqueue_dma source(%dma_start3A_74 : memref<128xi32, #tpu.memory_space<hbm>>) target(%arg5 : memref<128xi32, #tpu.memory_space<vmem>>) target_semaphore(%run_scoped3A : memref<!tpu.dma_semaphore, #tpu.memory_space<semaphore_mem>>)
      %dma_wait3A_75 = tpu.memref_slice %arg3[%add3A_58] : memref<36864xi32, #tpu.memory_space<hbm>> -> memref<128xi32, #tpu.memory_space<hbm>>
      %dma_wait3A_76 = tpu.memref_slice %arg3[%add3A_58] : memref<36864xi32, #tpu.memory_space<hbm>> -> memref<128xi32, #tpu.memory_space<hbm>>
      tpu.wait_dma2 semaphore(%run_scoped3A : memref<!tpu.dma_semaphore, #tpu.memory_space<semaphore_mem>>) src(%dma_wait3A_76 : memref<128xi32, #tpu.memory_space<hbm>>) dst(%arg5 : memref<128xi32, #tpu.memory_space<vmem>>)
      tpu.yield
    }) : () -> ()
    %dma_start3A_59 = arith.constant 0 : i32
    %dma_start3A_60 = arith.constant 0 : i32
    %dma_start3A_61 = tpu.memref_slice %arg2[%dma_start3A_59, %dma_start3A_60] : memref<1024x128xf32, #tpu.memory_space<hbm>> -> memref<1024x128xf32, #tpu.memory_space<hbm>>
    tpu.enqueue_indirect_dma source(%dma_start3A_61 : memref<1024x128xf32, #tpu.memory_space<hbm>>) target(%arg6 : memref<128x128xf32, #tpu.memory_space<vmem>>) offsets(%arg5 : memref<128xi32, #tpu.memory_space<vmem>>) semaphore(%arg7 : memref<!tpu.dma_semaphore, #tpu.memory_space<semaphore_mem>>)
    %dma_wait3A_62 = arith.constant 0 : i32
    %dma_wait3A_63 = arith.constant 0 : i32
    %dma_wait3A_64 = tpu.memref_slice %arg2[%dma_wait3A_62, %dma_wait3A_63] : memref<1024x128xf32, #tpu.memory_space<hbm>> -> memref<1024x128xf32, #tpu.memory_space<hbm>>
    tpu.wait_indirect_dma semaphore(%arg7 : memref<!tpu.dma_semaphore, #tpu.memory_space<semaphore_mem>>) src(%dma_wait3A_64 : memref<1024x128xf32, #tpu.memory_space<hbm>>) dst(%arg6 : memref<128x128xf32, #tpu.memory_space<vmem>>)
    "tpu.region"() ({
      %run_scoped3A = tpu.sem_alloc : memref<!tpu.dma_semaphore, #tpu.memory_space<semaphore_mem>>
      %dma_start3A_73 = arith.constant 0 : i32
      %dma_start3A_74 = tpu.memref_slice %arg4[%add3A_58, %dma_start3A_73] : memref<36864x128xf32, #tpu.memory_space<hbm>> -> memref<128x128xf32, #tpu.memory_space<hbm>>
      %dma_start3A_75 = arith.constant 0 : i32
      %dma_start3A_76 = tpu.memref_slice %arg4[%add3A_58, %dma_start3A_75] : memref<36864x128xf32, #tpu.memory_space<hbm>> -> memref<128x128xf32, #tpu.memory_space<hbm>>
      tpu.enqueue_dma source(%arg6 : memref<128x128xf32, #tpu.memory_space<vmem>>) target(%dma_start3A_76 : memref<128x128xf32, #tpu.memory_space<hbm>>) target_semaphore(%run_scoped3A : memref<!tpu.dma_semaphore, #tpu.memory_space<semaphore_mem>>)
      %dma_wait3A_77 = arith.constant 0 : i32
      %dma_wait3A_78 = tpu.memref_slice %arg4[%add3A_58, %dma_wait3A_77] : memref<36864x128xf32, #tpu.memory_space<hbm>> -> memref<128x128xf32, #tpu.memory_space<hbm>>
      %dma_wait3A_79 = arith.constant 0 : i32
      %dma_wait3A_80 = tpu.memref_slice %arg4[%add3A_58, %dma_wait3A_79] : memref<36864x128xf32, #tpu.memory_space<hbm>> -> memref<128x128xf32, #tpu.memory_space<hbm>>
      tpu.wait_dma2 semaphore(%run_scoped3A : memref<!tpu.dma_semaphore, #tpu.memory_space<semaphore_mem>>) src(%arg6 : memref<128x128xf32, #tpu.memory_space<vmem>>) dst(%dma_wait3A_80 : memref<128x128xf32, #tpu.memory_space<hbm>>)
      tpu.yield
    }) : () -> ()
    %add3A_65 = arith.constant 1024 : i32
    %add3A_66 = arith.addi %mul3A_2, %add3A_65 : i32
    "tpu.region"() ({
      %run_scoped3A = tpu.sem_alloc : memref<!tpu.dma_semaphore, #tpu.memory_space<semaphore_mem>>
      %dma_start3A_73 = tpu.memref_slice %arg3[%add3A_66] : memref<36864xi32, #tpu.memory_space<hbm>> -> memref<128xi32, #tpu.memory_space<hbm>>
      %dma_start3A_74 = tpu.memref_slice %arg3[%add3A_66] : memref<36864xi32, #tpu.memory_space<hbm>> -> memref<128xi32, #tpu.memory_space<hbm>>
      tpu.enqueue_dma source(%dma_start3A_74 : memref<128xi32, #tpu.memory_space<hbm>>) target(%arg5 : memref<128xi32, #tpu.memory_space<vmem>>) target_semaphore(%run_scoped3A : memref<!tpu.dma_semaphore, #tpu.memory_space<semaphore_mem>>)
      %dma_wait3A_75 = tpu.memref_slice %arg3[%add3A_66] : memref<36864xi32, #tpu.memory_space<hbm>> -> memref<128xi32, #tpu.memory_space<hbm>>
      %dma_wait3A_76 = tpu.memref_slice %arg3[%add3A_66] : memref<36864xi32, #tpu.memory_space<hbm>> -> memref<128xi32, #tpu.memory_space<hbm>>
      tpu.wait_dma2 semaphore(%run_scoped3A : memref<!tpu.dma_semaphore, #tpu.memory_space<semaphore_mem>>) src(%dma_wait3A_76 : memref<128xi32, #tpu.memory_space<hbm>>) dst(%arg5 : memref<128xi32, #tpu.memory_space<vmem>>)
      tpu.yield
    }) : () -> ()
    %dma_start3A_67 = arith.constant 0 : i32
    %dma_start3A_68 = arith.constant 0 : i32
    %dma_start3A_69 = tpu.memref_slice %arg2[%dma_start3A_67, %dma_start3A_68] : memref<1024x128xf32, #tpu.memory_space<hbm>> -> memref<1024x128xf32, #tpu.memory_space<hbm>>
    tpu.enqueue_indirect_dma source(%dma_start3A_69 : memref<1024x128xf32, #tpu.memory_space<hbm>>) target(%arg6 : memref<128x128xf32, #tpu.memory_space<vmem>>) offsets(%arg5 : memref<128xi32, #tpu.memory_space<vmem>>) semaphore(%arg7 : memref<!tpu.dma_semaphore, #tpu.memory_space<semaphore_mem>>)
    %dma_wait3A_70 = arith.constant 0 : i32
    %dma_wait3A_71 = arith.constant 0 : i32
    %dma_wait3A_72 = tpu.memref_slice %arg2[%dma_wait3A_70, %dma_wait3A_71] : memref<1024x128xf32, #tpu.memory_space<hbm>> -> memref<1024x128xf32, #tpu.memory_space<hbm>>
    tpu.wait_indirect_dma semaphore(%arg7 : memref<!tpu.dma_semaphore, #tpu.memory_space<semaphore_mem>>) src(%dma_wait3A_72 : memref<1024x128xf32, #tpu.memory_space<hbm>>) dst(%arg6 : memref<128x128xf32, #tpu.memory_space<vmem>>)
    "tpu.region"() ({
      %run_scoped3A = tpu.sem_alloc : memref<!tpu.dma_semaphore, #tpu.memory_space<semaphore_mem>>
      %dma_start3A_73 = arith.constant 0 : i32
      %dma_start3A_74 = tpu.memref_slice %arg4[%add3A_66, %dma_start3A_73] : memref<36864x128xf32, #tpu.memory_space<hbm>> -> memref<128x128xf32, #tpu.memory_space<hbm>>
      %dma_start3A_75 = arith.constant 0 : i32
      %dma_start3A_76 = tpu.memref_slice %arg4[%add3A_66, %dma_start3A_75] : memref<36864x128xf32, #tpu.memory_space<hbm>> -> memref<128x128xf32, #tpu.memory_space<hbm>>
      tpu.enqueue_dma source(%arg6 : memref<128x128xf32, #tpu.memory_space<vmem>>) target(%dma_start3A_76 : memref<128x128xf32, #tpu.memory_space<hbm>>) target_semaphore(%run_scoped3A : memref<!tpu.dma_semaphore, #tpu.memory_space<semaphore_mem>>)
      %dma_wait3A_77 = arith.constant 0 : i32
      %dma_wait3A_78 = tpu.memref_slice %arg4[%add3A_66, %dma_wait3A_77] : memref<36864x128xf32, #tpu.memory_space<hbm>> -> memref<128x128xf32, #tpu.memory_space<hbm>>
      %dma_wait3A_79 = arith.constant 0 : i32
      %dma_wait3A_80 = tpu.memref_slice %arg4[%add3A_66, %dma_wait3A_79] : memref<36864x128xf32, #tpu.memory_space<hbm>> -> memref<128x128xf32, #tpu.memory_space<hbm>>
      tpu.wait_dma2 semaphore(%run_scoped3A : memref<!tpu.dma_semaphore, #tpu.memory_space<semaphore_mem>>) src(%arg6 : memref<128x128xf32, #tpu.memory_space<vmem>>) dst(%dma_wait3A_80 : memref<128x128xf32, #tpu.memory_space<hbm>>)
      tpu.yield
    }) : () -> ()
    return
  }
}

module attributes {stable_mosaic.version = 14 : i64} {
  func.func @_front_body(%arg0: i32, %arg1: memref<2048x768xf32, #tpu.memory_space<vmem>>, %arg2: memref<32x768xf32, #tpu.memory_space<vmem>>, %arg3: memref<1x32xf32, #tpu.memory_space<vmem>>, %arg4: memref<32x1024xf32, #tpu.memory_space<vmem>>, %arg5: memref<1x1x2048xi32, #tpu.memory_space<vmem>>, %arg6: memref<1x1xf32, #tpu.memory_space<vmem>>) attributes {dimension_semantics = [#tpu.dimension_semantics<arbitrary>], iteration_bounds = array<i64: 18>, scalar_prefetch = 0 : i64, scratch_operands = 0 : i64, tpu.core_type = #tpu.core_type<tc>, window_params = [{transform_indices = @transform_0, window_bounds = array<i64: 2048, 768>}, {pipeline_mode = #tpu.pipeline_mode<synchronous>, transform_indices = @transform_1, window_bounds = array<i64: 32, 768>}, {pipeline_mode = #tpu.pipeline_mode<synchronous>, transform_indices = @transform_2, window_bounds = array<i64: 1, 32>}, {pipeline_mode = #tpu.pipeline_mode<synchronous>, transform_indices = @transform_3, window_bounds = array<i64: 32, 1024>}, {transform_indices = @transform_4, window_bounds = array<i64: 1, 1, 2048>}, {pipeline_mode = #tpu.pipeline_mode<synchronous>, transform_indices = @transform_5, window_bounds = array<i64: 1, 1>}]} {
    %get3A = arith.constant 0 : index
    %get3A_0 = arith.constant 0 : index
    %get3A_1 = vector.load %arg4[%get3A, %get3A_0] : memref<32x1024xf32, #tpu.memory_space<vmem>>, vector<32x1024xf32>
    %mul3A = arith.mulf %get3A_1, %get3A_1 : vector<32x1024xf32>
    %reduce_sum3A = arith.constant dense<0.000000e+00> : vector<1024xf32>
    %reduce_sum3A_2 = vector.multi_reduction <add>, %mul3A, %reduce_sum3A [0] : vector<32x1024xf32> to vector<1024xf32>
    %broadcast_in_dim3A = vector.shape_cast %reduce_sum3A_2 : vector<1024xf32> to vector<1x1024xf32>
    %get3A_3 = arith.constant 0 : index
    %get3A_4 = arith.constant 0 : index
    %get3A_5 = vector.load %arg2[%get3A_3, %get3A_4] : memref<32x768xf32, #tpu.memory_space<vmem>>, vector<32x768xf32>
    %get3A_6 = arith.constant 0 : index
    %get3A_7 = arith.constant 0 : index
    %get3A_8 = vector.load %arg3[%get3A_6, %get3A_7] : memref<1x32xf32, #tpu.memory_space<vmem>>, vector<1x32xf32>
    %get3A_9 = arith.constant 0 : index
    %get3A_10 = arith.constant 0 : index
    %get3A_11 = vector.load %arg1[%get3A_9, %get3A_10] : memref<2048x768xf32, #tpu.memory_space<vmem>>, vector<1024x768xf32>
    %dot_general3A = arith.constant dense<0.000000e+00> : vector<1024x32xf32>
    %dot_general3A_12 = tpu.matmul %get3A_11, %get3A_5, %dot_general3A {dimension_numbers = #tpu.dot_dimension_numbers<[1], [1], [0], [0], [0, 0, 1, 0], [], []>, transpose_lhs_hint = false} : vector<1024x768xf32>, vector<32x768xf32>, vector<1024x32xf32> -> vector<1024x32xf32>
    %add3A = vector.broadcast %get3A_8 : vector<1x32xf32> to vector<1024x32xf32>
    %add3A_13 = arith.addf %dot_general3A_12, %add3A : vector<1024x32xf32>
    %dot_general3A_14 = arith.constant dense<0.000000e+00> : vector<1024x1024xf32>
    %dot_general3A_15 = tpu.matmul %add3A_13, %get3A_1, %dot_general3A_14 {dimension_numbers = #tpu.dot_dimension_numbers<[1], [0], [0], [1], [0, 0, 1, 1], [], []>, transpose_lhs_hint = false} : vector<1024x32xf32>, vector<32x1024xf32>, vector<1024x1024xf32> -> vector<1024x1024xf32>
    %mul3A_16 = arith.constant 2.000000e+00 : f32
    %mul3A_17 = vector.broadcast %mul3A_16 : f32 to vector<1024x1024xf32>
    %mul3A_18 = arith.mulf %mul3A_17, %dot_general3A_15 : vector<1024x1024xf32>
    %sub3A = vector.broadcast %broadcast_in_dim3A : vector<1x1024xf32> to vector<1024x1024xf32>
    %sub3A_19 = arith.subf %sub3A, %mul3A_18 : vector<1024x1024xf32>
    %argmin3A = tpu.reduce_index %sub3A_19 {axis = 1 : i32, kind = #tpu.reduction_kind<arg_min>} : vector<1024x1024xf32> -> vector<1024xi32>
    %reduce_min3A = arith.constant dense<0x7F800000> : vector<1024xf32>
    %reduce_min3A_20 = vector.multi_reduction <minimumf>, %sub3A_19, %reduce_min3A [1] : vector<1024x1024xf32> to vector<1024xf32>
    %reduce_sum3A_21 = vector.shape_cast %reduce_min3A_20 : vector<1024xf32> to vector<1x1024xf32>
    %reduce_sum3A_22 = arith.constant dense<0.000000e+00> : vector<1xf32>
    %reduce_sum3A_23 = vector.multi_reduction <add>, %reduce_sum3A_21, %reduce_sum3A_22 [1] : vector<1x1024xf32> to vector<1xf32>
    %reduce_sum3A_24 = vector.shape_cast %reduce_sum3A_23 : vector<1xf32> to vector<1x1xf32>
    %reduce_sum3A_25 = vector.extract %reduce_sum3A_24[0, 0] : f32 from vector<1x1xf32>
    %mul3A_26 = arith.mulf %add3A_13, %add3A_13 : vector<1024x32xf32>
    %reduce_sum3A_27 = vector.shape_cast %mul3A_26 : vector<1024x32xf32> to vector<1x1024x32xf32>
    %reduce_sum3A_28 = arith.constant dense<0.000000e+00> : vector<1xf32>
    %reduce_sum3A_29 = vector.multi_reduction <add>, %reduce_sum3A_27, %reduce_sum3A_28 [1, 2] : vector<1x1024x32xf32> to vector<1xf32>
    %reduce_sum3A_30 = vector.shape_cast %reduce_sum3A_29 : vector<1xf32> to vector<1x1x1xf32>
    %reduce_sum3A_31 = vector.extract %reduce_sum3A_30[0, 0, 0] : f32 from vector<1x1x1xf32>
    %add3A_32 = arith.addf %reduce_sum3A_25, %reduce_sum3A_31 : f32
    %swap3A = arith.constant 0 : index
    %swap3A_33 = arith.constant 0 : index
    %swap3A_34 = arith.constant 0 : index
    %swap3A_35 = vector.load %arg5[%swap3A, %swap3A_33, %swap3A_34] : memref<1x1x2048xi32, #tpu.memory_space<vmem>>, vector<1x1x1024xi32>
    %swap3A_36 = vector.shape_cast %swap3A_35 : vector<1x1x1024xi32> to vector<1024xi32>
    %swap3A_37 = vector.shape_cast %argmin3A : vector<1024xi32> to vector<1x1x1024xi32>
    tpu.vector_store %arg5[%swap3A, %swap3A_33, %swap3A_34], %swap3A_37 {strides = array<i32>} : memref<1x1x2048xi32, #tpu.memory_space<vmem>>, vector<1x1x1024xi32>,
    %add3A_38 = arith.constant 0.000000e+00 : f32
    %add3A_39 = arith.addf %add3A_38, %add3A_32 : f32
    %get3A_40 = arith.constant 1024 : index
    %get3A_41 = arith.constant 0 : index
    %get3A_42 = vector.load %arg1[%get3A_40, %get3A_41] : memref<2048x768xf32, #tpu.memory_space<vmem>>, vector<1024x768xf32>
    %dot_general3A_43 = arith.constant dense<0.000000e+00> : vector<1024x32xf32>
    %dot_general3A_44 = tpu.matmul %get3A_42, %get3A_5, %dot_general3A_43 {dimension_numbers = #tpu.dot_dimension_numbers<[1], [1], [0], [0], [0, 0, 1, 0], [], []>, transpose_lhs_hint = false} : vector<1024x768xf32>, vector<32x768xf32>, vector<1024x32xf32> -> vector<1024x32xf32>
    %add3A_45 = vector.broadcast %get3A_8 : vector<1x32xf32> to vector<1024x32xf32>
    %add3A_46 = arith.addf %dot_general3A_44, %add3A_45 : vector<1024x32xf32>
    %dot_general3A_47 = arith.constant dense<0.000000e+00> : vector<1024x1024xf32>
    %dot_general3A_48 = tpu.matmul %add3A_46, %get3A_1, %dot_general3A_47 {dimension_numbers = #tpu.dot_dimension_numbers<[1], [0], [0], [1], [0, 0, 1, 1], [], []>, transpose_lhs_hint = false} : vector<1024x32xf32>, vector<32x1024xf32>, vector<1024x1024xf32> -> vector<1024x1024xf32>
    %mul3A_49 = arith.constant 2.000000e+00 : f32
    %mul3A_50 = vector.broadcast %mul3A_49 : f32 to vector<1024x1024xf32>
    %mul3A_51 = arith.mulf %mul3A_50, %dot_general3A_48 : vector<1024x1024xf32>
    %sub3A_52 = vector.broadcast %broadcast_in_dim3A : vector<1x1024xf32> to vector<1024x1024xf32>
    %sub3A_53 = arith.subf %sub3A_52, %mul3A_51 : vector<1024x1024xf32>
    %argmin3A_54 = tpu.reduce_index %sub3A_53 {axis = 1 : i32, kind = #tpu.reduction_kind<arg_min>} : vector<1024x1024xf32> -> vector<1024xi32>
    %reduce_min3A_55 = arith.constant dense<0x7F800000> : vector<1024xf32>
    %reduce_min3A_56 = vector.multi_reduction <minimumf>, %sub3A_53, %reduce_min3A_55 [1] : vector<1024x1024xf32> to vector<1024xf32>
    %reduce_sum3A_57 = vector.shape_cast %reduce_min3A_56 : vector<1024xf32> to vector<1x1024xf32>
    %reduce_sum3A_58 = arith.constant dense<0.000000e+00> : vector<1xf32>
    %reduce_sum3A_59 = vector.multi_reduction <add>, %reduce_sum3A_57, %reduce_sum3A_58 [1] : vector<1x1024xf32> to vector<1xf32>
    %reduce_sum3A_60 = vector.shape_cast %reduce_sum3A_59 : vector<1xf32> to vector<1x1xf32>
    %reduce_sum3A_61 = vector.extract %reduce_sum3A_60[0, 0] : f32 from vector<1x1xf32>
    %mul3A_62 = arith.mulf %add3A_46, %add3A_46 : vector<1024x32xf32>
    %reduce_sum3A_63 = vector.shape_cast %mul3A_62 : vector<1024x32xf32> to vector<1x1024x32xf32>
    %reduce_sum3A_64 = arith.constant dense<0.000000e+00> : vector<1xf32>
    %reduce_sum3A_65 = vector.multi_reduction <add>, %reduce_sum3A_63, %reduce_sum3A_64 [1, 2] : vector<1x1024x32xf32> to vector<1xf32>
    %reduce_sum3A_66 = vector.shape_cast %reduce_sum3A_65 : vector<1xf32> to vector<1x1x1xf32>
    %reduce_sum3A_67 = vector.extract %reduce_sum3A_66[0, 0, 0] : f32 from vector<1x1x1xf32>
    %add3A_68 = arith.addf %reduce_sum3A_61, %reduce_sum3A_67 : f32
    %swap3A_69 = arith.constant 0 : index
    %swap3A_70 = arith.constant 0 : index
    %swap3A_71 = arith.constant 1024 : index
    %swap3A_72 = vector.load %arg5[%swap3A_69, %swap3A_70, %swap3A_71] : memref<1x1x2048xi32, #tpu.memory_space<vmem>>, vector<1x1x1024xi32>
    %swap3A_73 = vector.shape_cast %swap3A_72 : vector<1x1x1024xi32> to vector<1024xi32>
    %swap3A_74 = vector.shape_cast %argmin3A_54 : vector<1024xi32> to vector<1x1x1024xi32>
    tpu.vector_store %arg5[%swap3A_69, %swap3A_70, %swap3A_71], %swap3A_74 {strides = array<i32>} : memref<1x1x2048xi32, #tpu.memory_space<vmem>>, vector<1x1x1024xi32>,
    %add3A_75 = arith.addf %add3A_39, %add3A_68 : f32
    %eq3A = arith.constant 0 : i32
    %eq3A_76 = arith.cmpi eq, %arg0, %eq3A : i32
    %convert_element_type3A = arith.extui %eq3A_76 : i1 to i32
    %cond3A = arith.constant 0 : i32
    %cond3A_77 = arith.cmpi ne, %convert_element_type3A, %cond3A : i32
    scf.if %cond3A_77 {
      %broadcast_in_dim3A_86 = arith.constant 0.000000e+00 : f32
      %broadcast_in_dim3A_87 = vector.broadcast %broadcast_in_dim3A_86 : f32 to vector<1x1xf32>
      %swap3A_88 = arith.constant 0 : index
      %swap3A_89 = arith.constant 0 : index
      %swap3A_90 = vector.load %arg6[%swap3A_88, %swap3A_89] : memref<1x1xf32, #tpu.memory_space<vmem>>, vector<1x1xf32>
      tpu.vector_store %arg6[%swap3A_88, %swap3A_89], %broadcast_in_dim3A_87 {strides = array<i32>} : memref<1x1xf32, #tpu.memory_space<vmem>>, vector<1x1xf32>,
    } else {
    }
    %get3A_78 = arith.constant 0 : index
    %get3A_79 = arith.constant 0 : index
    %get3A_80 = vector.load %arg6[%get3A_78, %get3A_79] : memref<1x1xf32, #tpu.memory_space<vmem>>, vector<1x1xf32>
    %add3A_81 = vector.broadcast %add3A_75 : f32 to vector<1x1xf32>
    %add3A_82 = arith.addf %get3A_80, %add3A_81 : vector<1x1xf32>
    %swap3A_83 = arith.constant 0 : index
    %swap3A_84 = arith.constant 0 : index
    %swap3A_85 = vector.load %arg6[%swap3A_83, %swap3A_84] : memref<1x1xf32, #tpu.memory_space<vmem>>, vector<1x1xf32>
    tpu.vector_store %arg6[%swap3A_83, %swap3A_84], %add3A_82 {strides = array<i32>} : memref<1x1xf32, #tpu.memory_space<vmem>>, vector<1x1xf32>,
    return
  }
  func.func @transform_0(%arg0: i32) -> (i32, i32) {
    %c0_i32 = arith.constant 0 : i32
    %c0_i32_0 = arith.constant 0 : i32
    return %arg0, %c0_i32 : i32, i32
  }
  func.func @transform_1(%arg0: i32) -> (i32, i32) {
    %c0_i32 = arith.constant 0 : i32
    %c0_i32_0 = arith.constant 0 : i32
    %c0_i32_1 = arith.constant 0 : i32
    return %c0_i32, %c0_i32_0 : i32, i32
  }
  func.func @transform_2(%arg0: i32) -> (i32, i32) {
    %c0_i32 = arith.constant 0 : i32
    %c0_i32_0 = arith.constant 0 : i32
    %c0_i32_1 = arith.constant 0 : i32
    return %c0_i32, %c0_i32_0 : i32, i32
  }
  func.func @transform_3(%arg0: i32) -> (i32, i32) {
    %c0_i32 = arith.constant 0 : i32
    %c0_i32_0 = arith.constant 0 : i32
    %c0_i32_1 = arith.constant 0 : i32
    return %c0_i32, %c0_i32_0 : i32, i32
  }
  func.func @transform_4(%arg0: i32) -> (i32, i32, i32) {
    %c0_i32 = arith.constant 0 : i32
    %c0_i32_0 = arith.constant 0 : i32
    %c0_i32_1 = arith.constant 0 : i32
    return %arg0, %c0_i32, %c0_i32_0 : i32, i32, i32
  }
  func.func @transform_5(%arg0: i32) -> (i32, i32) {
    %c0_i32 = arith.constant 0 : i32
    %c0_i32_0 = arith.constant 0 : i32
    %c0_i32_1 = arith.constant 0 : i32
    return %c0_i32, %c0_i32_0 : i32, i32
  }
}

module attributes {stable_mosaic.version = 14 : i64} {
  func.func @_back_body(%arg0: i32, %arg1: memref<2048x128xf32, #tpu.memory_space<vmem>>, %arg2: memref<768x128xf32, #tpu.memory_space<vmem>>, %arg3: memref<1x768xf32, #tpu.memory_space<vmem>>, %arg4: memref<2048x768xf32, #tpu.memory_space<vmem>>) attributes {dimension_semantics = [#tpu.dimension_semantics<arbitrary>], iteration_bounds = array<i64: 18>, scalar_prefetch = 0 : i64, scratch_operands = 0 : i64, tpu.core_type = #tpu.core_type<tc>, window_params = [{transform_indices = @transform_0, window_bounds = array<i64: 2048, 128>}, {pipeline_mode = #tpu.pipeline_mode<synchronous>, transform_indices = @transform_1, window_bounds = array<i64: 768, 128>}, {pipeline_mode = #tpu.pipeline_mode<synchronous>, transform_indices = @transform_2, window_bounds = array<i64: 1, 768>}, {transform_indices = @transform_3, window_bounds = array<i64: 2048, 768>}]} {
    %get3A = arith.constant 0 : index
    %get3A_0 = arith.constant 0 : index
    %get3A_1 = vector.load %arg1[%get3A, %get3A_0] : memref<2048x128xf32, #tpu.memory_space<vmem>>, vector<2048x128xf32>
    %get3A_2 = arith.constant 0 : index
    %get3A_3 = arith.constant 0 : index
    %get3A_4 = vector.load %arg2[%get3A_2, %get3A_3] : memref<768x128xf32, #tpu.memory_space<vmem>>, vector<768x128xf32>
    %dot_general3A = arith.constant dense<0.000000e+00> : vector<2048x768xf32>
    %dot_general3A_5 = tpu.matmul %get3A_1, %get3A_4, %dot_general3A {dimension_numbers = #tpu.dot_dimension_numbers<[1], [1], [0], [0], [0, 0, 1, 0], [], []>, transpose_lhs_hint = false} : vector<2048x128xf32>, vector<768x128xf32>, vector<2048x768xf32> -> vector<2048x768xf32>
    %get3A_6 = arith.constant 0 : index
    %get3A_7 = arith.constant 0 : index
    %get3A_8 = vector.load %arg3[%get3A_6, %get3A_7] : memref<1x768xf32, #tpu.memory_space<vmem>>, vector<1x768xf32>
    %add3A = vector.broadcast %get3A_8 : vector<1x768xf32> to vector<2048x768xf32>
    %add3A_9 = arith.addf %dot_general3A_5, %add3A : vector<2048x768xf32>
    %swap3A = arith.constant 0 : index
    %swap3A_10 = arith.constant 0 : index
    %swap3A_11 = vector.load %arg4[%swap3A, %swap3A_10] : memref<2048x768xf32, #tpu.memory_space<vmem>>, vector<2048x768xf32>
    tpu.vector_store %arg4[%swap3A, %swap3A_10], %add3A_9 {strides = array<i32>} : memref<2048x768xf32, #tpu.memory_space<vmem>>, vector<2048x768xf32>,
    return
  }
  func.func @transform_0(%arg0: i32) -> (i32, i32) {
    %c0_i32 = arith.constant 0 : i32
    %c0_i32_0 = arith.constant 0 : i32
    return %arg0, %c0_i32 : i32, i32
  }
  func.func @transform_1(%arg0: i32) -> (i32, i32) {
    %c0_i32 = arith.constant 0 : i32
    %c0_i32_0 = arith.constant 0 : i32
    %c0_i32_1 = arith.constant 0 : i32
    return %c0_i32, %c0_i32_0 : i32, i32
  }
  func.func @transform_2(%arg0: i32) -> (i32, i32) {
    %c0_i32 = arith.constant 0 : i32
    %c0_i32_0 = arith.constant 0 : i32
    %c0_i32_1 = arith.constant 0 : i32
    return %c0_i32, %c0_i32_0 : i32, i32
  }
  func.func @transform_3(%arg0: i32) -> (i32, i32) {
    %c0_i32 = arith.constant 0 : i32
    %c0_i32_0 = arith.constant 0 : i32
    return %arg0, %c0_i32 : i32, i32
  }
}

</mosaic_0001>

<sc_bundles>
// kernel: kernel.5.cloned.1.call-start
scs
__scs_entry_jumppad:
0x0: {  	(pc) =	sbr.rel $0x88, $3  }
0x1: {  	(tag) =	ssettag $0x0;
	lr =	simm.s32 $0x1  }
0x2: {  	[smem:$0x3F9B] =	sst lr;
	_ =	strace $0xD0000000  }
0x3: {  	_ = 	snop  }
0x4: {  	_ = 	snop  }
0x5: {  	_ = 	snop  }
0x6: {  	_ = 	snop  }
0x7: {  	_ = 	snop  }
__scs_overlays_trampoline_lowered:
0x8: {  	[smem:$0x3FAA] =	sst s0  }
0x9: {  	[smem:$0x3FAB] =	sst s1  }
0xa: {  	[smem:$0x3FAC] =	sst s2  }
0xb: {  	[smem:$0x3FAD] =	sst s3  }
0xc: {  	[smem:$0x3FAE] =	sst s4  }
0xd: {  	[smem:$0x3FAF] =	sst s5  }
0xe: {  	[smem:$0x3FB0] =	sst s6  }
0xf: {  	[smem:$0x3FB1] =	sst s7  }
0x10: {  	[smem:$0x3FB2] =	sst s8  }
0x11: {  	[smem:$0x3FB3] =	sst s9;
	s0 =	simm.s32 @!p0 $0x0  }
0x12: {  	s1 =	sld [smem:$0x3F99];
	s0 =	simm.s32 @p0 $0x1  }
0x13: {  	[smem:$0x3FB4] =	sst s0;
	s0 =	simm.s32 @!p1 $0x0  }
0x14: {  	s2 =	sld [smem:$0x3F98];
	s0 =	simm.s32 @p1 $0x1  }
0x15: {  	[smem:$0x3FB5] =	sst s0;
	s0 =	simm.s32 @!p2 $0x0  }
0x16: {  	s3 =	sld [smem:$0x3FDB];
	s0 =	simm.s32 @p2 $0x1  }
0x17: {  	s4 =	simm.s32 $0x1BF5;
	[smem:$0x3FB7] =	sst s0  }
0x18: {  	s0 =	sld [smem:$0x3F9A];
	_ =	swait.ge [sflag:s4], $0x0  }
0x19: {  	s7 =	sld [smem:$0x3F9B]  }
0x1a: {  	s8 =	sadd.s32 $0xFFFFE003, lr  }
0x1b: {  	s9 =	sadd.s32 $0xFFFFFEF7, lr;
	s5 =	simm.s32 $0xFFFFFFFF;
	p2 =	slt.u32 s8, $0xFFFFF086  }
0x1c: {  	p1 =	slt.u32 s9, $0xF7A;
	s5 =	simm.s32 @!p2 $0x0  }
0x1d: {  	s5 =	simm.s32 @p1 $0x1;
	p0 =	seq.s32 s7, s2  }
0x1e: {  	s7 =	smul.u32 @!p0 $0xF7A, s2;
	p2 =	seq.s32 @!p0 s5, $0x0  }
0x1f: {  	s9 =	smul.u32 $0xF7A, s1;
	s8 =	simm.s32 @!p0 $0x1BF5;
	p2 =	por !p2, p0  }
0x20: {  	[sflag:s8] =	ssyncset.s32 @!p0 $0xFFFFF086;
	s6 =	sadd.s32 @!p0 s3, s7;
	s7 =	simm.s32 @!p0 $0x108  }
0x21: {  	s3 =	sadd.s32 s3, s9;
	s6 =	sadd.s32 @!p0 $0x88, s6;
	s7 =	simm.s32 @p2 $0x1082  }
0x22: {  	[simem:s7], [sflag:s8] =	dma.local @!p0 [hbm:s6], $0xF7A  }
0x23: {  	s9 =	sor.u32 $0xD0000000, s2;
	s6 =	simm.s32 $0x108;
	_ =	swait.ge @!p0 [sflag:s8], $0x0  }
0x24: {  	s3 =	sadd.s32 $0x88, s3;
	s6 =	simm.s32 @!p1 $0x1082;
	[sflag:s4] =	ssyncset.s32 $0xFFFFF086  }
0x25: {  	[simem:s6], [sflag:s4] =	dma.local [hbm:s3], $0xF7A  }
0x26: {  	[smem:$0x3F9B] =	sst s1;
	(tag) =	ssettag s2;
	_ =	strace s9  }
0x27: {  	s1 =	sld [smem:$0x3FAB]  }
0x28: {  	s2 =	sld [smem:$0x3FAC]  }
0x29: {  	s4 =	sld [smem:$0x3FAE]  }
0x2a: {  	p0 =	seq.s32 s5, $0x0;
	s5 =	sld [smem:$0x3FAF]  }
0x2b: {  	s6 =	sld [smem:$0x3FB0]  }
0x2c: {  	s7 =	sld [smem:$0x3FB1]  }
0x2d: {  	s3 =	simm.s32 $0x108;
	s8 =	sld [smem:$0x3FB2]  }
0x2e: {  	s3 =	simm.s32 @!p0 $0x1082;
	s9 =	sld [smem:$0x3FB3]  }
0x2f: {  	lr =	sadd.s32 s0, s3;
	s0 =	sld [smem:$0x3FAA]  }
0x30: {  	s3 =	sld [smem:$0x3FAD]  }
0x31: {  	[smem:$0x3FB6] =	sst s10  }
0x32: {  	s10 =	sld [smem:$0x3FB4];
	_ =	sdelay $0x3  }
0x33: {  	p0 =	seq.s32 s10, $0x1;
	s10 =	sld [smem:$0x3FB6];
	_ =	sdelay $0x3  }
0x34: {  	[smem:$0x3FB6] =	sst s10  }
0x35: {  	s10 =	sld [smem:$0x3FB5];
	_ =	sdelay $0x3  }
0x36: {  	p1 =	seq.s32 s10, $0x1;
	s10 =	sld [smem:$0x3FB6];
	_ =	sdelay $0x3  }
0x37: {  	[smem:$0x3FB6] =	sst s10  }
0x38: {  	s10 =	sld [smem:$0x3FB7]  }
0x39: {  	_ = 	snop;
	(pc) =	sbr.ind lr, $3  }
0x3a: {  	_ = 	snop  }
0x3b: {  	_ = 	snop  }
0x3c: {  	p2 =	seq.s32 s10, $0x1;
	s10 =	sld [smem:$0x3FB6]  }
0x3d: {  	_ =	shalt  }
0x3e: {  	_ =	shalt  }
0x3f: {  	_ =	shalt  }
0x40: {  	_ =	shalt  }
0x41: {  	_ =	shalt  }
0x42: {  	_ =	shalt  }
0x43: {  	_ =	shalt  }
0x44: {  	_ =	shalt  }
0x45: {  	_ =	shalt  }
0x46: {  	_ =	shalt  }
0x47: {  	_ =	shalt  }
0x48: {  	_ =	shalt  }
0x49: {  	_ =	shalt  }
0x4a: {  	_ =	shalt  }
0x4b: {  	_ =	shalt  }
0x4c: {  	_ =	shalt  }
0x4d: {  	_ =	shalt  }
0x4e: {  	_ =	shalt  }
0x4f: {  	_ =	shalt  }
0x50: {  	_ =	shalt  }
0x51: {  	_ =	shalt  }
0x52: {  	_ =	shalt  }
0x53: {  	_ =	shalt  }
0x54: {  	_ =	shalt  }
0x55: {  	_ =	shalt  }
0x56: {  	_ =	shalt  }
0x57: {  	_ =	shalt  }
0x58: {  	_ =	shalt  }
0x59: {  	_ =	shalt  }
0x5a: {  	_ =	shalt  }
0x5b: {  	_ =	shalt  }
0x5c: {  	_ =	shalt  }
0x5d: {  	_ =	shalt  }
0x5e: {  	_ =	shalt  }
0x5f: {  	_ =	shalt  }
0x60: {  	_ =	shalt  }
0x61: {  	_ =	shalt  }
0x62: {  	_ =	shalt  }
0x63: {  	_ =	shalt  }
0x64: {  	_ =	shalt  }
0x65: {  	_ =	shalt  }
0x66: {  	_ =	shalt  }
0x67: {  	_ =	shalt  }
0x68: {  	_ =	shalt  }
0x69: {  	_ =	shalt  }
0x6a: {  	_ =	shalt  }
0x6b: {  	_ =	shalt  }
0x6c: {  	_ =	shalt  }
0x6d: {  	_ =	shalt  }
0x6e: {  	_ =	shalt  }
0x6f: {  	_ =	shalt  }
0x70: {  	_ =	shalt  }
0x71: {  	_ =	shalt  }
0x72: {  	_ =	shalt  }
0x73: {  	_ =	shalt  }
0x74: {  	_ =	shalt  }
0x75: {  	_ =	shalt  }
0x76: {  	_ =	shalt  }
0x77: {  	_ =	shalt  }
0x78: {  	_ =	shalt  }
0x79: {  	_ =	shalt  }
0x7a: {  	_ =	shalt  }
0x7b: {  	_ =	shalt  }
0x7c: {  	_ =	shalt  }
0x7d: {  	_ =	shalt  }
0x7e: {  	_ =	shalt  }
0x7f: {  	_ =	shalt  }
0x80: {  	_ =	shalt  }
0x81: {  	_ =	shalt  }
0x82: {  	_ =	shalt  }
0x83: {  	_ =	shalt  }
0x84: {  	_ =	shalt  }
0x85: {  	_ =	shalt  }
0x86: {  	_ =	shalt  }
0x87: {  	_ =	shalt  }
.Lfunc_end0:
.L_simem_size_0:
called_computation_lowered:
.L_overlay_start_0:
0x88: {  	s2 =	sld [smem:$0x3FD9]  }
0x89: {  	s3 =	sld [smem:$0x3FFE];
	_ =	sdelay $0x1  }
0x8a: {  	s1 =	srdreg.scid  }
0x8b: {  	s0 =	sand.u32 $0x1, s1  }
0x8c: {  	s14 =	sshll.u32 s0, $0xA;
	s2 =	sadd.s32 s3, s2  }
0x8d: {  	s2 =	sadd.s32 s2, s14  }
0x8e: {  	[smem:$0x3FC2] =	sst s2  }
0x8f: {  	_ = 	snop  }
0x90: {  	s2 =	sld [smem:$0x3FD0];
	_ =	sdelay $0x2  }
0x91: {  	s15 =	simm.s32 $0xA;
	s4 =	simm.s32 $0x10  }
0x92: {  	[smem:s4], [sflag:s15] =	dma.local [hbm:s2], $0x1  }
0x93: {  	_ =	swait.eq [sflag:s15], $0x1  }
0x94: {  	[sflag:s15] =	ssyncset.done $0x0  }
0x95: {  	[sflag:s15] =	ssyncadd.s32 $0xFFFFFFFF  }
0x96: {  	s16 =	sld [smem:$0x10];
	(tm) =	ssettm $0x1  }
0x97: {  	s17 =	sld [smem:$0x3FFB];
	_ =	sdelay $0x3  }
0x98: {  	_ =	strace s17  }
0x99: {  	s3 =	sld [smem:$0x3FFC];
	_ =	sdelay $0x3  }
0x9a: {  	_ =	strace s3  }
0x9b: {  	s3 =	sld [smem:$0x3FFD];
	_ =	sdelay $0x3  }
0x9c: {  	_ =	strace s3  }
0x9d: {  	_ =	strace $0x8FFFFFFF  }
0x9e: {  	s18 =	sld [smem:$0x3FDB];
	_ =	sdelay $0x1  }
0x9f: {  	s19 =	simm.s32 $_scs_section_size  }
0xa0: {  	s5 =	simm.s32 $_size__tile_overlayer_lowered;
	s6 =	simm.s32 $_tile_overlayer_lowered  }
0xa1: {  	s22 =	simm.s32 $0x1BFF;
	s21 =	sshll.u32 s6, $0x1;
	s3 =	sadd.s32 s19, s18  }
0xa2: {  	s7 =	simm.s32 $0x0;
	s20 =	sshll.u32 s5, $0x1;
	s5 =	sadd.s32 s21, s3  }
0xa3: {  	[timem:s7], [sflag:s22] =	dma.local [hbm:s5], s20  }
0xa4: {  	_ =	swait.ge [sflag:s22], s20  }
0xa5: {  	s4 =	ssub.s32 $0x0, s20;
	[sflag:s22] =	ssyncset.done $0x0  }
0xa6: {  	[sflag:s22] =	ssyncadd.s32 s4;
	_ =	sdelay $0x1  }
0xa7: {  	s23 =	simm.s32 $0x1B8B  }
0xa8: {  	_ =	swait.ge [sflag:s23], $0x1  }
0xa9: {  	[sflag:s23] =	ssyncset.done $0x0  }
0xaa: {  	s25 =	simm.s32 $0x1B8E;
	s24 =	sld [smem:$0x3FFE];
	[sflag:s23] =	ssyncadd.s32 $0xFFFFFFFF  }
0xab: {  	s26 =	simm.s32 $execute0_lowered;
	[smem:$0x3FD2] =	sst s25  }
0xac: {  	s5 =	sshll.u32 s26, $0x1;
	_ =	strace $0x80000046;
	[dreg:$0x1] =	wrdreg $0xFFFFFFFF  }
0xad: {  	s28 =	simm.s32 $_size_execute0_lowered;
	s3 =	sadd.s32 s3, s5;
	[dreg:$0x0] =	wrdreg $0x0  }
0xae: {  	s5 =	sshll.u32 s28, $0x1;
	[dreg:$0x2] =	wrdreg s3  }
0xaf: {  	[dreg:$0x3] =	wrdreg s5  }
0xb0: {  	[dreg:$0x4] =	wrdreg $0xC0  }
0xb1: {  	_ =	task [dreg:s7], $0x5FFFF  }
0xb2: {  	[dreg:$0x1] =	wrdreg $0xFFFFFFFF  }
0xb3: {  	[dreg:$0x0] =	wrdreg $0x60  }
0xb4: {  	[dreg:$0x2] =	wrdreg s24  }
0xb5: {  	[dreg:$0x3] =	wrdreg s16  }
0xb6: {  	[dreg:$0x4] =	wrdreg $0x9  }
0xb7: {  	_ =	task.clear_ibuf [dreg:s7], $0x5FFFF;
	_ =	strace $0x90000046  }
0xb8: {  	s29 =	simm.s32 $0x9;
	_ =	strace $0x80000048  }
0xb9: {  	_ =	swait.ge [sflag:s29], $0x1  }
0xba: {  	[sflag:s29] =	ssyncadd.s32 $0xFFFFFFFF  }
0xbb: {  	_ =	strace $0x90000048  }
0xbc: {  	_ =	sfence  }
0xbd: {  	s30 =	sld [smem:$0x0];
	_ =	sdelay $0x2  }
0xbe: {  	s31 =	sshll.u32 s1, $0xD;
	s1 =	sshrl.u32 s1, $0x2  }
0xbf: {  	s3 =	sand.u32 $0x4000, s31;
	s1 =	sadd.s32 s1, s30  }
0xc0: {  	s0 =	sor.u32 s3, s0;
	s1 =	sshll.u32 s1, $0x11  }
0xc1: {  	s0 =	sor.u32 s1, s0  }
0xc2: {  	s0 =	sadd.s32 $0x8F2B, s0  }
0xc3: {  	[sflag:s0] =	ssyncadd.remote.s32 $0x1  }
0xc4: {  	_ =	sfence.sel $0xFFFF  }
0xc5: {  	[dreg:$0x0] =	wrdreg $0xFFFFFFFF;
	(pc) =	sbr.abs _section_cstart, $3  }
0xc6: {  	[dreg:$0x1] =	wrdreg $0xFFFFFFFF  }
0xc7: {  	_ =	task.clear_ibuf [dreg:s7], $0x2FFFF;
	_ =	strace $0x9FFFFFFF  }
0xc8: {  	(tm) =	ssettm $0x7FFFFFFF  }
0xc9: {  	_ =	shalt  }
tec
execute0_lowered:
.L_overlay_start_1:
0x0: {  	(tag) =	ssettag $0x1  }
0x1: {  	s1 =	srdreg.scid;
	s0 =	stileid.u32  }
0x2: {  	s25 =	sand.u32 $0x1, s1;
	s30 =	sshll.u32 s0, $0x1  }
0x3: {  	s5 =	rddreg [dreg:$0x0];
	s8 =	sor.u32 s25, s30  }
0x4: {  	s24 =	rddreg [dreg:$0x1];
	s26 =	smul.u32 $0x480, s8  }
0x5: {  	s2 =	simm.s32 $0x0;
	s1 =	rddreg [dreg:$0x2]  }
0x6: {  	[smem:$0x7FF] =	sst s2;
	s23 =	sadd.s32 $0x5000, s5;
	s3 =	sshrl.u32 s26, $0x3  }
0x7: {  	_ =	strace $0x80000047;
	s4 =	sadd.s32 s23, s3;
	s3 =	simm.s32 $0x2  }
0x8: {  	[tilespmem:s2], [sflag:$0x2] =	stream.linear.gather [hbm4b:s4+s2], $0x80, $0x38;
	[tilespmem:$0x4080] =	vst v63  }
0x9: {  	_ =	swait.ge [sflag:s3], $0x80  }
0xa: {  	s6 =	simm.s32 $0x80;
	[sflag:s3] =	ssyncset.done $0x0  }
0xb: {  	s7 =	simm.s32 $0x1;
	s5 =	sadd.s32 $0x1000, s5;
	[sflag:s3] =	ssyncadd.s32 $0xFFFFFF80  }
0xc: {  	[tilespmem:s6], [sflag:$0x1] =	stream.indirect.gather [hbm4b:s5+s6], $0x80, s2, s6, $0xb8;
	[tilespmem:$0x4080] =	vst v63  }
0xd: {  	s8 =	smul.u32 $0x4800, s8;
	_ =	swait.ge [sflag:s7], $0x4000  }
0xe: {  	[sflag:s7] =	ssyncset.done $0x0  }
0xf: {  	s8 =	sadd.s32 s24, s8;
	[sflag:s7] =	ssyncadd.s32 $0xFFFFC000  }
0x10: {  	[hbm4b:s8+s2] =	stream.linear.scatter [tilespmem:s6], [sflag:$0x2], $0x4000, $0x38;
	[tilespmem:$0x4080] =	vst v63  }
0x11: {  	s10 =	sadd.s32 $0x80, s26;
	_ =	swait.ge [sflag:s3], $0x4000  }
0x12: {  	s9 =	sshrl.u32 s10, $0x3;
	[sflag:s3] =	ssyncset.done $0x0  }
0x13: {  	s9 =	sadd.s32 s23, s9;
	[sflag:s3] =	ssyncadd.s32 $0xFFFFC000  }
0x14: {  	[tilespmem:s2], [sflag:$0x2] =	stream.linear.gather [hbm4b:s9+s2], $0x80, $0x38;
	[tilespmem:$0x4080] =	vst v63  }
0x15: {  	_ =	swait.ge [sflag:s3], $0x80  }
0x16: {  	[sflag:s3] =	ssyncset.done $0x0  }
0x17: {  	[sflag:s3] =	ssyncadd.s32 $0xFFFFFF80  }
0x18: {  	[tilespmem:s6], [sflag:$0x1] =	stream.indirect.gather [hbm4b:s5+s6], $0x80, s2, s6, $0xb8;
	[tilespmem:$0x4080] =	vst v63  }
0x19: {  	_ =	swait.ge [sflag:s7], $0x4000  }
0x1a: {  	s10 =	sshll.u32 s10, $0x4;
	[sflag:s7] =	ssyncset.done $0x0  }
0x1b: {  	s10 =	sadd.s32 s24, s10;
	[sflag:s7] =	ssyncadd.s32 $0xFFFFC000  }
0x1c: {  	[hbm4b:s10+s2] =	stream.linear.scatter [tilespmem:s6], [sflag:$0x2], $0x4000, $0x38;
	[tilespmem:$0x4080] =	vst v63  }
0x1d: {  	s12 =	sadd.s32 $0x100, s26;
	_ =	swait.ge [sflag:s3], $0x4000  }
0x1e: {  	s11 =	sshrl.u32 s12, $0x3;
	[sflag:s3] =	ssyncset.done $0x0  }
0x1f: {  	s11 =	sadd.s32 s23, s11;
	[sflag:s3] =	ssyncadd.s32 $0xFFFFC000  }
0x20: {  	[tilespmem:s2], [sflag:$0x2] =	stream.linear.gather [hbm4b:s11+s2], $0x80, $0x38;
	[tilespmem:$0x4080] =	vst v63  }
0x21: {  	_ =	swait.ge [sflag:s3], $0x80  }
0x22: {  	[sflag:s3] =	ssyncset.done $0x0  }
0x23: {  	[sflag:s3] =	ssyncadd.s32 $0xFFFFFF80  }
0x24: {  	[tilespmem:s6], [sflag:$0x1] =	stream.indirect.gather [hbm4b:s5+s6], $0x80, s2, s6, $0xb8;
	[tilespmem:$0x4080] =	vst v63  }
0x25: {  	_ =	swait.ge [sflag:s7], $0x4000  }
0x26: {  	s12 =	sshll.u32 s12, $0x4;
	[sflag:s7] =	ssyncset.done $0x0  }
0x27: {  	s12 =	sadd.s32 s24, s12;
	[sflag:s7] =	ssyncadd.s32 $0xFFFFC000  }
0x28: {  	[hbm4b:s12+s2] =	stream.linear.scatter [tilespmem:s6], [sflag:$0x2], $0x4000, $0x38;
	[tilespmem:$0x4080] =	vst v63  }
0x29: {  	s14 =	sadd.s32 $0x180, s26;
	_ =	swait.ge [sflag:s3], $0x4000  }
0x2a: {  	s13 =	sshrl.u32 s14, $0x3;
	[sflag:s3] =	ssyncset.done $0x0  }
0x2b: {  	s13 =	sadd.s32 s23, s13;
	[sflag:s3] =	ssyncadd.s32 $0xFFFFC000  }
0x2c: {  	[tilespmem:s2], [sflag:$0x2] =	stream.linear.gather [hbm4b:s13+s2], $0x80, $0x38;
	[tilespmem:$0x4080] =	vst v63  }
0x2d: {  	_ =	swait.ge [sflag:s3], $0x80  }
0x2e: {  	[sflag:s3] =	ssyncset.done $0x0  }
0x2f: {  	[sflag:s3] =	ssyncadd.s32 $0xFFFFFF80  }
0x30: {  	[tilespmem:s6], [sflag:$0x1] =	stream.indirect.gather [hbm4b:s5+s6], $0x80, s2, s6, $0xb8;
	[tilespmem:$0x4080] =	vst v63  }
0x31: {  	_ =	swait.ge [sflag:s7], $0x4000  }
0x32: {  	s14 =	sshll.u32 s14, $0x4;
	[sflag:s7] =	ssyncset.done $0x0  }
0x33: {  	s14 =	sadd.s32 s24, s14;
	[sflag:s7] =	ssyncadd.s32 $0xFFFFC000  }
0x34: {  	[hbm4b:s14+s2] =	stream.linear.scatter [tilespmem:s6], [sflag:$0x2], $0x4000, $0x38;
	[tilespmem:$0x4080] =	vst v63  }
0x35: {  	s16 =	sadd.s32 $0x200, s26;
	_ =	swait.ge [sflag:s3], $0x4000  }
0x36: {  	s15 =	sshrl.u32 s16, $0x3;
	[sflag:s3] =	ssyncset.done $0x0  }
0x37: {  	s15 =	sadd.s32 s23, s15;
	[sflag:s3] =	ssyncadd.s32 $0xFFFFC000  }
0x38: {  	[tilespmem:s2], [sflag:$0x2] =	stream.linear.gather [hbm4b:s15+s2], $0x80, $0x38;
	[tilespmem:$0x4080] =	vst v63  }
0x39: {  	_ =	swait.ge [sflag:s3], $0x80  }
0x3a: {  	[sflag:s3] =	ssyncset.done $0x0  }
0x3b: {  	[sflag:s3] =	ssyncadd.s32 $0xFFFFFF80  }
0x3c: {  	[tilespmem:s6], [sflag:$0x1] =	stream.indirect.gather [hbm4b:s5+s6], $0x80, s2, s6, $0xb8;
	[tilespmem:$0x4080] =	vst v63  }
0x3d: {  	_ =	swait.ge [sflag:s7], $0x4000  }
0x3e: {  	s16 =	sshll.u32 s16, $0x4;
	[sflag:s7] =	ssyncset.done $0x0  }
0x3f: {  	s16 =	sadd.s32 s24, s16;
	[sflag:s7] =	ssyncadd.s32 $0xFFFFC000  }
0x40: {  	[hbm4b:s16+s2] =	stream.linear.scatter [tilespmem:s6], [sflag:$0x2], $0x4000, $0x38;
	[tilespmem:$0x4080] =	vst v63  }
0x41: {  	s18 =	sadd.s32 $0x280, s26;
	_ =	swait.ge [sflag:s3], $0x4000  }
0x42: {  	s17 =	sshrl.u32 s18, $0x3;
	[sflag:s3] =	ssyncset.done $0x0  }
0x43: {  	s17 =	sadd.s32 s23, s17;
	[sflag:s3] =	ssyncadd.s32 $0xFFFFC000  }
0x44: {  	[tilespmem:s2], [sflag:$0x2] =	stream.linear.gather [hbm4b:s17+s2], $0x80, $0x38;
	[tilespmem:$0x4080] =	vst v63  }
0x45: {  	_ =	swait.ge [sflag:s3], $0x80  }
0x46: {  	[sflag:s3] =	ssyncset.done $0x0  }
0x47: {  	[sflag:s3] =	ssyncadd.s32 $0xFFFFFF80  }
0x48: {  	[tilespmem:s6], [sflag:$0x1] =	stream.indirect.gather [hbm4b:s5+s6], $0x80, s2, s6, $0xb8;
	[tilespmem:$0x4080] =	vst v63  }
0x49: {  	_ =	swait.ge [sflag:s7], $0x4000  }
0x4a: {  	s18 =	sshll.u32 s18, $0x4;
	[sflag:s7] =	ssyncset.done $0x0  }
0x4b: {  	s18 =	sadd.s32 s24, s18;
	[sflag:s7] =	ssyncadd.s32 $0xFFFFC000  }
0x4c: {  	[hbm4b:s18+s2] =	stream.linear.scatter [tilespmem:s6], [sflag:$0x2], $0x4000, $0x38;
	[tilespmem:$0x4080] =	vst v63  }
0x4d: {  	s20 =	sadd.s32 $0x300, s26;
	_ =	swait.ge [sflag:s3], $0x4000  }
0x4e: {  	s19 =	sshrl.u32 s20, $0x3;
	[sflag:s3] =	ssyncset.done $0x0  }
0x4f: {  	s19 =	sadd.s32 s23, s19;
	[sflag:s3] =	ssyncadd.s32 $0xFFFFC000  }
0x50: {  	[tilespmem:s2], [sflag:$0x2] =	stream.linear.gather [hbm4b:s19+s2], $0x80, $0x38;
	[tilespmem:$0x4080] =	vst v63  }
0x51: {  	_ =	swait.ge [sflag:s3], $0x80  }
0x52: {  	[sflag:s3] =	ssyncset.done $0x0  }
0x53: {  	[sflag:s3] =	ssyncadd.s32 $0xFFFFFF80  }
0x54: {  	[tilespmem:s6], [sflag:$0x1] =	stream.indirect.gather [hbm4b:s5+s6], $0x80, s2, s6, $0xb8;
	[tilespmem:$0x4080] =	vst v63  }
0x55: {  	_ =	swait.ge [sflag:s7], $0x4000  }
0x56: {  	s20 =	sshll.u32 s20, $0x4;
	[sflag:s7] =	ssyncset.done $0x0  }
0x57: {  	s20 =	sadd.s32 s24, s20;
	[sflag:s7] =	ssyncadd.s32 $0xFFFFC000  }
0x58: {  	[hbm4b:s20+s2] =	stream.linear.scatter [tilespmem:s6], [sflag:$0x2], $0x4000, $0x38;
	[tilespmem:$0x4080] =	vst v63  }
0x59: {  	s22 =	sadd.s32 $0x380, s26;
	_ =	swait.ge [sflag:s3], $0x4000  }
0x5a: {  	s21 =	sshrl.u32 s22, $0x3;
	[sflag:s3] =	ssyncset.done $0x0  }
0x5b: {  	s21 =	sadd.s32 s23, s21;
	[sflag:s3] =	ssyncadd.s32 $0xFFFFC000  }
0x5c: {  	[tilespmem:s2], [sflag:$0x2] =	stream.linear.gather [hbm4b:s21+s2], $0x80, $0x38;
	[tilespmem:$0x4080] =	vst v63  }
0x5d: {  	_ =	swait.ge [sflag:s3], $0x80  }
0x5e: {  	[sflag:s3] =	ssyncset.done $0x0  }
0x5f: {  	[sflag:s3] =	ssyncadd.s32 $0xFFFFFF80  }
0x60: {  	[tilespmem:s6], [sflag:$0x1] =	stream.indirect.gather [hbm4b:s5+s6], $0x80, s2, s6, $0xb8;
	[tilespmem:$0x4080] =	vst v63  }
0x61: {  	_ =	swait.ge [sflag:s7], $0x4000  }
0x62: {  	s22 =	sshll.u32 s22, $0x4;
	[sflag:s7] =	ssyncset.done $0x0  }
0x63: {  	s22 =	sadd.s32 s24, s22;
	[sflag:s7] =	ssyncadd.s32 $0xFFFFC000  }
0x64: {  	[hbm4b:s22+s2] =	stream.linear.scatter [tilespmem:s6], [sflag:$0x2], $0x4000, $0x38;
	[tilespmem:$0x4080] =	vst v63  }
0x65: {  	s26 =	sadd.s32 $0x400, s26;
	_ =	swait.ge [sflag:s3], $0x4000  }
0x66: {  	s28 =	sshrl.u32 s26, $0x3;
	[sflag:s3] =	ssyncset.done $0x0  }
0x67: {  	s25 =	ssub.s32 $0x2, s25;
	s23 =	sadd.s32 s23, s28;
	[sflag:s3] =	ssyncadd.s32 $0xFFFFC000  }
0x68: {  	[tilespmem:s2], [sflag:$0x2] =	stream.linear.gather [hbm4b:s23+s2], $0x80, $0x38;
	[tilespmem:$0x4080] =	vst v63  }
0x69: {  	s31 =	sshrl.u32 s25, $0x1;
	_ =	swait.ge [sflag:s3], $0x80  }
0x6a: {  	s25 =	ssub.s32 s25, s31;
	[sflag:s3] =	ssyncset.done $0x0  }
0x6b: {  	s25 =	smax.u32 s25, $0x1;
	[sflag:s3] =	ssyncadd.s32 $0xFFFFFF80  }
0x6c: {  	[tilespmem:s6], [sflag:$0x1] =	stream.indirect.gather [hbm4b:s5+s6], $0x80, s2, s6, $0xb8;
	[tilespmem:$0x4080] =	vst v63  }
0x6d: {  	p0 =	sne.s32 s25, $0x1;
	_ =	swait.ge [sflag:s7], $0x4000  }
.Ltmp0:
0x6e: {  	s26 =	sshll.u32 s26, $0x4;
	[sflag:s7] =	ssyncset.done $0x0;
	(pc) =	sbr.rel @!p0 .LBB2_2-.Ltmp0, $4  }
0x6f: {  	s24 =	sadd.s32 s24, s26;
	[sflag:s7] =	ssyncadd.s32 $0xFFFFC000  }
0x70: {  	[hbm4b:s24+s2] =	stream.linear.scatter [tilespmem:s6], [sflag:$0x2], $0x4000, $0x38;
	[tilespmem:$0x4080] =	vst v63  }
0x71: {  	_ =	swait.ge [sflag:s3], $0x4000  }
0x72: {  	s25 =	sadd.s32 $0xFFFFFFFF, s25;
	[sflag:s3] =	ssyncset.done $0x0  }
.LBB2_1:
0x73: {  	p0 =	sne.s32 s25, $0x1;
	s25 =	sadd.s32 $0xFFFFFFFF, s25;
	[sflag:s3] =	ssyncadd.s32 $0xFFFFC000  }
0x74: {  	[tilespmem:s2], [sflag:$0x2] =	stream.linear.gather [hbm4b:s4+s2], $0x80, $0x38;
	[tilespmem:$0x4080] =	vst v63  }
0x75: {  	_ =	swait.ge [sflag:s3], $0x80  }
0x76: {  	[sflag:s3] =	ssyncset.done $0x0  }
0x77: {  	[sflag:s3] =	ssyncadd.s32 $0xFFFFFF80  }
0x78: {  	[tilespmem:s6], [sflag:$0x1] =	stream.indirect.gather [hbm4b:s5+s6], $0x80, s2, s6, $0xb8;
	[tilespmem:$0x4080] =	vst v63  }
0x79: {  	_ =	swait.ge [sflag:s7], $0x4000  }
0x7a: {  	[sflag:s7] =	ssyncset.done $0x0  }
0x7b: {  	[sflag:s7] =	ssyncadd.s32 $0xFFFFC000  }
0x7c: {  	[hbm4b:s8+s2] =	stream.linear.scatter [tilespmem:s6], [sflag:$0x2], $0x4000, $0x38;
	[tilespmem:$0x4080] =	vst v63  }
0x7d: {  	_ =	swait.ge [sflag:s3], $0x4000  }
0x7e: {  	[sflag:s3] =	ssyncset.done $0x0  }
0x7f: {  	[sflag:s3] =	ssyncadd.s32 $0xFFFFC000  }
0x80: {  	[tilespmem:s2], [sflag:$0x2] =	stream.linear.gather [hbm4b:s9+s2], $0x80, $0x38;
	[tilespmem:$0x4080] =	vst v63  }
0x81: {  	_ =	swait.ge [sflag:s3], $0x80  }
0x82: {  	[sflag:s3] =	ssyncset.done $0x0  }
0x83: {  	[sflag:s3] =	ssyncadd.s32 $0xFFFFFF80  }
0x84: {  	[tilespmem:s6], [sflag:$0x1] =	stream.indirect.gather [hbm4b:s5+s6], $0x80, s2, s6, $0xb8;
	[tilespmem:$0x4080] =	vst v63  }
0x85: {  	_ =	swait.ge [sflag:s7], $0x4000  }
0x86: {  	[sflag:s7] =	ssyncset.done $0x0  }
0x87: {  	[sflag:s7] =	ssyncadd.s32 $0xFFFFC000  }
0x88: {  	[hbm4b:s10+s2] =	stream.linear.scatter [tilespmem:s6], [sflag:$0x2], $0x4000, $0x38;
	[tilespmem:$0x4080] =	vst v63  }
0x89: {  	_ =	swait.ge [sflag:s3], $0x4000  }
0x8a: {  	[sflag:s3] =	ssyncset.done $0x0  }
0x8b: {  	[sflag:s3] =	ssyncadd.s32 $0xFFFFC000  }
0x8c: {  	[tilespmem:s2], [sflag:$0x2] =	stream.linear.gather [hbm4b:s11+s2], $0x80, $0x38;
	[tilespmem:$0x4080] =	vst v63  }
0x8d: {  	_ =	swait.ge [sflag:s3], $0x80  }
0x8e: {  	[sflag:s3] =	ssyncset.done $0x0  }
0x8f: {  	[sflag:s3] =	ssyncadd.s32 $0xFFFFFF80  }
0x90: {  	[tilespmem:s6], [sflag:$0x1] =	stream.indirect.gather [hbm4b:s5+s6], $0x80, s2, s6, $0xb8;
	[tilespmem:$0x4080] =	vst v63  }
0x91: {  	_ =	swait.ge [sflag:s7], $0x4000  }
0x92: {  	[sflag:s7] =	ssyncset.done $0x0  }
0x93: {  	[sflag:s7] =	ssyncadd.s32 $0xFFFFC000  }
0x94: {  	[hbm4b:s12+s2] =	stream.linear.scatter [tilespmem:s6], [sflag:$0x2], $0x4000, $0x38;
	[tilespmem:$0x4080] =	vst v63  }
0x95: {  	_ =	swait.ge [sflag:s3], $0x4000  }
0x96: {  	[sflag:s3] =	ssyncset.done $0x0  }
0x97: {  	[sflag:s3] =	ssyncadd.s32 $0xFFFFC000  }
0x98: {  	[tilespmem:s2], [sflag:$0x2] =	stream.linear.gather [hbm4b:s13+s2], $0x80, $0x38;
	[tilespmem:$0x4080] =	vst v63  }
0x99: {  	_ =	swait.ge [sflag:s3], $0x80  }
0x9a: {  	[sflag:s3] =	ssyncset.done $0x0  }
0x9b: {  	[sflag:s3] =	ssyncadd.s32 $0xFFFFFF80  }
0x9c: {  	[tilespmem:s6], [sflag:$0x1] =	stream.indirect.gather [hbm4b:s5+s6], $0x80, s2, s6, $0xb8;
	[tilespmem:$0x4080] =	vst v63  }
0x9d: {  	_ =	swait.ge [sflag:s7], $0x4000  }
0x9e: {  	[sflag:s7] =	ssyncset.done $0x0  }
0x9f: {  	[sflag:s7] =	ssyncadd.s32 $0xFFFFC000  }
0xa0: {  	[hbm4b:s14+s2] =	stream.linear.scatter [tilespmem:s6], [sflag:$0x2], $0x4000, $0x38;
	[tilespmem:$0x4080] =	vst v63  }
0xa1: {  	_ =	swait.ge [sflag:s3], $0x4000  }
0xa2: {  	[sflag:s3] =	ssyncset.done $0x0  }
0xa3: {  	[sflag:s3] =	ssyncadd.s32 $0xFFFFC000  }
0xa4: {  	[tilespmem:s2], [sflag:$0x2] =	stream.linear.gather [hbm4b:s15+s2], $0x80, $0x38;
	[tilespmem:$0x4080] =	vst v63  }
0xa5: {  	_ =	swait.ge [sflag:s3], $0x80  }
0xa6: {  	[sflag:s3] =	ssyncset.done $0x0  }
0xa7: {  	[sflag:s3] =	ssyncadd.s32 $0xFFFFFF80  }
0xa8: {  	[tilespmem:s6], [sflag:$0x1] =	stream.indirect.gather [hbm4b:s5+s6], $0x80, s2, s6, $0xb8;
	[tilespmem:$0x4080] =	vst v63  }
0xa9: {  	_ =	swait.ge [sflag:s7], $0x4000  }
0xaa: {  	[sflag:s7] =	ssyncset.done $0x0  }
0xab: {  	[sflag:s7] =	ssyncadd.s32 $0xFFFFC000  }
0xac: {  	[hbm4b:s16+s2] =	stream.linear.scatter [tilespmem:s6], [sflag:$0x2], $0x4000, $0x38;
	[tilespmem:$0x4080] =	vst v63  }
0xad: {  	_ =	swait.ge [sflag:s3], $0x4000  }
0xae: {  	[sflag:s3] =	ssyncset.done $0x0  }
0xaf: {  	[sflag:s3] =	ssyncadd.s32 $0xFFFFC000  }
0xb0: {  	[tilespmem:s2], [sflag:$0x2] =	stream.linear.gather [hbm4b:s17+s2], $0x80, $0x38;
	[tilespmem:$0x4080] =	vst v63  }
0xb1: {  	_ =	swait.ge [sflag:s3], $0x80  }
0xb2: {  	[sflag:s3] =	ssyncset.done $0x0  }
0xb3: {  	[sflag:s3] =	ssyncadd.s32 $0xFFFFFF80  }
0xb4: {  	[tilespmem:s6], [sflag:$0x1] =	stream.indirect.gather [hbm4b:s5+s6], $0x80, s2, s6, $0xb8;
	[tilespmem:$0x4080] =	vst v63  }
0xb5: {  	_ =	swait.ge [sflag:s7], $0x4000  }
0xb6: {  	[sflag:s7] =	ssyncset.done $0x0  }
0xb7: {  	[sflag:s7] =	ssyncadd.s32 $0xFFFFC000  }
0xb8: {  	[hbm4b:s18+s2] =	stream.linear.scatter [tilespmem:s6], [sflag:$0x2], $0x4000, $0x38;
	[tilespmem:$0x4080] =	vst v63  }
0xb9: {  	_ =	swait.ge [sflag:s3], $0x4000  }
0xba: {  	[sflag:s3] =	ssyncset.done $0x0  }
0xbb: {  	[sflag:s3] =	ssyncadd.s32 $0xFFFFC000  }
0xbc: {  	[tilespmem:s2], [sflag:$0x2] =	stream.linear.gather [hbm4b:s19+s2], $0x80, $0x38;
	[tilespmem:$0x4080] =	vst v63  }
0xbd: {  	_ =	swait.ge [sflag:s3], $0x80  }
0xbe: {  	[sflag:s3] =	ssyncset.done $0x0  }
0xbf: {  	[sflag:s3] =	ssyncadd.s32 $0xFFFFFF80  }
0xc0: {  	[tilespmem:s6], [sflag:$0x1] =	stream.indirect.gather [hbm4b:s5+s6], $0x80, s2, s6, $0xb8;
	[tilespmem:$0x4080] =	vst v63  }
0xc1: {  	_ =	swait.ge [sflag:s7], $0x4000  }
0xc2: {  	[sflag:s7] =	ssyncset.done $0x0  }
0xc3: {  	[sflag:s7] =	ssyncadd.s32 $0xFFFFC000  }
0xc4: {  	[hbm4b:s20+s2] =	stream.linear.scatter [tilespmem:s6], [sflag:$0x2], $0x4000, $0x38;
	[tilespmem:$0x4080] =	vst v63  }
0xc5: {  	_ =	swait.ge [sflag:s3], $0x4000  }
0xc6: {  	[sflag:s3] =	ssyncset.done $0x0  }
0xc7: {  	[sflag:s3] =	ssyncadd.s32 $0xFFFFC000  }
0xc8: {  	[tilespmem:s2], [sflag:$0x2] =	stream.linear.gather [hbm4b:s21+s2], $0x80, $0x38;
	[tilespmem:$0x4080] =	vst v63  }
0xc9: {  	_ =	swait.ge [sflag:s3], $0x80  }
0xca: {  	[sflag:s3] =	ssyncset.done $0x0  }
0xcb: {  	[sflag:s3] =	ssyncadd.s32 $0xFFFFFF80  }
0xcc: {  	[tilespmem:s6], [sflag:$0x1] =	stream.indirect.gather [hbm4b:s5+s6], $0x80, s2, s6, $0xb8;
	[tilespmem:$0x4080] =	vst v63  }
0xcd: {  	_ =	swait.ge [sflag:s7], $0x4000  }
0xce: {  	[sflag:s7] =	ssyncset.done $0x0  }
0xcf: {  	[sflag:s7] =	ssyncadd.s32 $0xFFFFC000  }
0xd0: {  	[hbm4b:s22+s2] =	stream.linear.scatter [tilespmem:s6], [sflag:$0x2], $0x4000, $0x38;
	[tilespmem:$0x4080] =	vst v63  }
0xd1: {  	_ =	swait.ge [sflag:s3], $0x4000  }
0xd2: {  	[sflag:s3] =	ssyncset.done $0x0  }
0xd3: {  	[sflag:s3] =	ssyncadd.s32 $0xFFFFC000  }
0xd4: {  	[tilespmem:s2], [sflag:$0x2] =	stream.linear.gather [hbm4b:s23+s2], $0x80, $0x38;
	[tilespmem:$0x4080] =	vst v63  }
0xd5: {  	_ =	swait.ge [sflag:s3], $0x80  }
0xd6: {  	[sflag:s3] =	ssyncset.done $0x0  }
0xd7: {  	[sflag:s3] =	ssyncadd.s32 $0xFFFFFF80  }
0xd8: {  	[tilespmem:s6], [sflag:$0x1] =	stream.indirect.gather [hbm4b:s5+s6], $0x80, s2, s6, $0xb8;
	[tilespmem:$0x4080] =	vst v63  }
0xd9: {  	_ =	swait.ge [sflag:s7], $0x4000  }
.Ltmp1:
0xda: {  	[sflag:s7] =	ssyncset.done $0x0;
	(pc) =	sbr.rel @p0 .LBB2_1-.Ltmp1, $4  }
0xdb: {  	[sflag:s7] =	ssyncadd.s32 $0xFFFFC000  }
0xdc: {  	[hbm4b:s24+s2] =	stream.linear.scatter [tilespmem:s6], [sflag:$0x2], $0x4000, $0x38;
	[tilespmem:$0x4080] =	vst v63  }
0xdd: {  	_ =	swait.ge [sflag:s3], $0x4000  }
0xde: {  	[sflag:s3] =	ssyncset.done $0x0  }
.LBB2_2:
0xdf: {  	[sflag:s3] =	ssyncadd.s32 $0xFFFFC000  }
0xe0: {  	_ =	sfence.sel $0x180000  }
0xe1: {  	[bflag:$0x0] =	sbarrier.arrive $0xFFFF  }
0xe2: {  	p0 =	sne.s32 s0, $0x0;
	_ =	strace $0x90000047  }
0xe3: {  	s0 =	sadd.s32 @!p0 $0x100000, s1;
	[bflag:$0x2] =	sbarrier.arrive $0xFFFF  }
0xe4: {  	[sflag:s0] =	ssyncadd.tile.s32 @!p0 $0x1;
	_ =	shalt  }
.Lfunc_end2:
_tile_overlayer_lowered:
.L_overlay_start_2:
0xe5: {  	(tag) =	ssettag $0x2  }
0xe6: {  	s0 =	rddreg [dreg:$0x0];
	s2 =	stileid.u32  }
0xe7: {  	s1 =	rddreg [dreg:$0x1];
	p0 =	sne.s32 s2, $0x0  }
0xe8: {  	s3 =	rddreg [dreg:$0x2];
	[bflag:$0x3] =	sbarrier.arrive $0xFFFF;
	s2 =	simm.s32 @!p0 $0x1C02  }
0xe9: {  	[timem:s3], [sflag:s2] =	dma.local @!p0 [hbm:s0], s1  }
0xea: {  	s0 =	simm.s32 @!p0 $0x2  }
0xeb: {  	_ =	swait.ge @!p0 [sflag:s0], s1  }
0xec: {  	s1 =	ssub.s32 @!p0 $0x0, s1;
	[sflag:s0] =	ssyncset.done @!p0 $0x0  }
0xed: {  	[sflag:s0] =	ssyncadd.s32 @!p0 s1  }
0xee: {  	[bflag:$0x3] =	sbarrier.arrive $0xFFFF  }
0xef: {  	_ =	shalt  }

</sc_bundles>
